<compile_context>
chip_gen: v7x
topology: tpu7x:2x2x1
jax: 0.10.2.dev20260603
libtpu: 0.0.44.dev20260713+nightly
codegen_flags: <defaults>
</compile_context>

<pallas_src>
import functools

import jax
import jax.numpy as jnp
from jax import lax
from jax.experimental import pallas as pl
from jax.experimental.pallas import tpu as pltpu
from jax.experimental.pallas import tpu_sc as plsc

BZ = 32
NKG = 4096
C = 128
HW = 4096
CHUNK = 128
NCHUNK = HW // CHUNK


def _gather_body(table, idxs, mid, idx_v, rows_v, gsem, osem):
    cid = lax.axis_index("c")
    sid = lax.axis_index("s")
    b = sid * 2 + cid

    pltpu.sync_copy(idxs.at[b], idx_v)

    def gather(k, buf):
        return pltpu.make_async_copy(
            table.at[idx_v.at[k]], rows_v.at[buf], gsem.at[buf]
        )

    def writeback(k, buf):
        return pltpu.make_async_copy(
            rows_v.at[buf], mid.at[b, pl.ds(k * CHUNK, CHUNK)], osem.at[buf]
        )

    gather(0, 0).start()
    gather(1, 1).start()
    gather(2, 2).start()

    def chunk_quad(i, carry):
        for buf in (0, 1, 2, 3):
            k = i * 4 + buf
            gather(k, buf).wait()
            writeback(k, buf).start()

            @pl.when(k >= 1)
            def _():
                writeback(k - 1, (k - 1) % 4).wait()

            @pl.when(k + 3 < NCHUNK)
            def _():
                gather(k + 3, (k + 3) % 4).start()

        return carry

    lax.fori_loop(0, NCHUNK // 4, chunk_quad, 0)
    writeback(NCHUNK - 1, (NCHUNK - 1) % 4).wait()


def _transpose_body(x_ref, o_ref):
    i0 = lax.broadcasted_iota(jnp.int32, (C, C), 0)
    i1 = lax.broadcasted_iota(jnp.int32, (C, C), 1)
    iden = (i0 == i1).astype(jnp.float32)
    for j in range(4):
        o_ref[j] = lax.dot_general(
            iden, x_ref[j], (((1,), (1,)), ((), ())),
            preferred_element_type=jnp.float32,
        )


@jax.jit
def _run(table, idxs):
    gather = functools.partial(
        pl.kernel,
        out_type=jax.ShapeDtypeStruct((BZ, HW, C), jnp.float32),
        mesh=plsc.VectorSubcoreMesh(core_axis_name="c", subcore_axis_name="s"),
        scratch_types=[
            pltpu.VMEM((NCHUNK, CHUNK), jnp.int32),
            pltpu.VMEM((4, CHUNK, C), jnp.float32),
            pltpu.SemaphoreType.DMA((4,)),
            pltpu.SemaphoreType.DMA((4,)),
        ],
    )(_gather_body)
    mid = gather(table, idxs)

    out = pl.pallas_call(
        _transpose_body,
        grid=(BZ // 4,),
        in_specs=[
            pl.BlockSpec((4, HW, C), lambda b: (b, 0, 0)),
        ],
        out_specs=pl.BlockSpec((4, C, HW), lambda b: (b, 0, 0)),
        out_shape=jax.ShapeDtypeStruct((BZ, C, HW), jnp.float32),
    )(mid)
    return out


def kernel(kg_node_feats, obs):
    bz, height, width = obs.shape
    _, nkg, channels = kg_node_feats.shape
    table = kg_node_feats.reshape(bz * nkg, channels)
    idx = obs.reshape(bz, height * width).astype(jnp.int32)
    idx = idx + (jnp.arange(bz, dtype=jnp.int32) * nkg)[:, None]
    idx = idx.reshape(bz, NCHUNK, CHUNK)
    out = _run(table, idx)
    return out.reshape(bz, channels, height, width)

# --- scband reference (transcript-rebuilt; emitter-appended) ---
"""Pipeline reference for scband-kginto-sgpool-76218489635036 (READ-ONLY COPY).

The authoritative reference and input builder live on the scoring server;
editing this copy changes nothing except your own understanding.
"""

import jax, jax.numpy as jnp
import numpy as np


def setup_inputs(seed: int = 0) -> dict:
    key = jax.random.key(seed)
    k1, k2 = jax.random.split(key)
    kg_node_feats = jax.random.normal(k1, (32, 4096, 128), dtype=jnp.float32)
    obs = jax.random.randint(k2, (32, 64, 64), 0, 4096, dtype=jnp.int64)
    return {"kg_node_feats": kg_node_feats, "obs": obs}


def reference(kg_node_feats, obs):
    bz, height, width = obs.shape
    channels = kg_node_feats.shape[2]
    # permute(0, 2, 1)
    kg_perm = jnp.transpose(kg_node_feats, (0, 2, 1))  # [bz, C, N_kg]
    # obs.view(bz, 1, H*W).repeat(1, C, 1)
    idx = jnp.broadcast_to(obs.reshape(bz, 1, height * width), (bz, channels, height * width))
    # torch.gather(kg_perm, 2, idx)
    sg_node_feats = jnp.take_along_axis(kg_perm, idx, axis=2)
    sg_node_feats = sg_node_feats.reshape(bz, channels, height, width)
    return sg_node_feats

if __name__ == "__main__":
    import jax
    _d = setup_inputs()
    print(jax.jit(kernel)(*tuple(_d.values())))

</pallas_src>

<mosaic_0001>
#map = affine_map<(d0, d1) -> (0, 0)>
#map1 = affine_map<(d0, d1) -> (0, 0, 0)>
module attributes {stable_mosaic.version = 14 : i64} {
  func.func @_gather_body(%arg0: i32, %arg1: i32, %arg2: memref<131072x128xf32, #tpu.memory_space<hbm>>, %arg3: memref<32x32x128xi32, #tpu.memory_space<hbm>>, %arg4: memref<32x4096x128xf32, #tpu.memory_space<hbm>>, %arg5: memref<32x128xi32, #tpu.memory_space<vmem>>, %arg6: memref<4x128x128xf32, #tpu.memory_space<vmem>>, %arg7: memref<4x!tpu.dma_semaphore, #tpu.memory_space<semaphore_mem>>, %arg8: memref<4x!tpu.dma_semaphore, #tpu.memory_space<semaphore_mem>>) attributes {dimension_semantics = [#tpu.dimension_semantics<core_parallel>, #tpu.dimension_semantics<subcore_parallel>], iteration_bounds = array<i64: 2, 16>, scalar_prefetch = 0 : i64, scratch_operands = 4 : i64, tpu.core_type = #tpu.core_type<sc_vector_subcore>, window_params = [{transform_indices = #map}, {transform_indices = #map1}, {transform_indices = #map1}]} {
    %mul3A = arith.constant 2 : i32
    %mul3A_0 = arith.muli %arg1, %mul3A : i32
    %add3A = arith.addi %mul3A_0, %arg0 : i32
    "tpu.region"() ({
      %run_scoped3A = tpu.sem_alloc : memref<!tpu.dma_semaphore, #tpu.memory_space<semaphore_mem>>
      %dma_start3A_69 = arith.constant 0 : i32
      %dma_start3A_70 = arith.constant 0 : i32
      %dma_start3A_71 = tpu.memref_slice %arg3[%add3A, %dma_start3A_69, %dma_start3A_70] : memref<32x32x128xi32, #tpu.memory_space<hbm>> -> memref<1x32x128xi32, #tpu.memory_space<hbm>>
      %dma_start3A_72 = tpu.memref_squeeze %dma_start3A_71 : memref<1x32x128xi32, #tpu.memory_space<hbm>> -> memref<32x128xi32, #tpu.memory_space<hbm>>
      %dma_start3A_73 = arith.constant 0 : i32
      %dma_start3A_74 = arith.constant 0 : i32
      %dma_start3A_75 = tpu.memref_slice %arg3[%add3A, %dma_start3A_73, %dma_start3A_74] : memref<32x32x128xi32, #tpu.memory_space<hbm>> -> memref<1x32x128xi32, #tpu.memory_space<hbm>>
      %dma_start3A_76 = tpu.memref_squeeze %dma_start3A_75 : memref<1x32x128xi32, #tpu.memory_space<hbm>> -> memref<32x128xi32, #tpu.memory_space<hbm>>
      tpu.enqueue_dma source(%dma_start3A_76 : memref<32x128xi32, #tpu.memory_space<hbm>>) target(%arg5 : memref<32x128xi32, #tpu.memory_space<vmem>>) target_semaphore(%run_scoped3A : memref<!tpu.dma_semaphore, #tpu.memory_space<semaphore_mem>>)
      %dma_wait3A_77 = arith.constant 0 : i32
      %dma_wait3A_78 = arith.constant 0 : i32
      %dma_wait3A_79 = tpu.memref_slice %arg3[%add3A, %dma_wait3A_77, %dma_wait3A_78] : memref<32x32x128xi32, #tpu.memory_space<hbm>> -> memref<1x32x128xi32, #tpu.memory_space<hbm>>
      %dma_wait3A_80 = tpu.memref_squeeze %dma_wait3A_79 : memref<1x32x128xi32, #tpu.memory_space<hbm>> -> memref<32x128xi32, #tpu.memory_space<hbm>>
      %dma_wait3A_81 = arith.constant 0 : i32
      %dma_wait3A_82 = arith.constant 0 : i32
      %dma_wait3A_83 = tpu.memref_slice %arg3[%add3A, %dma_wait3A_81, %dma_wait3A_82] : memref<32x32x128xi32, #tpu.memory_space<hbm>> -> memref<1x32x128xi32, #tpu.memory_space<hbm>>
      %dma_wait3A_84 = tpu.memref_squeeze %dma_wait3A_83 : memref<1x32x128xi32, #tpu.memory_space<hbm>> -> memref<32x128xi32, #tpu.memory_space<hbm>>
      tpu.wait_dma2 semaphore(%run_scoped3A : memref<!tpu.dma_semaphore, #tpu.memory_space<semaphore_mem>>) src(%dma_wait3A_84 : memref<32x128xi32, #tpu.memory_space<hbm>>) dst(%arg5 : memref<32x128xi32, #tpu.memory_space<vmem>>)
      tpu.yield
    }) : () -> ()
    %dma_start3A = arith.constant 0 : i32
    %dma_start3A_1 = arith.constant 0 : i32
    %dma_start3A_2 = arith.constant 0 : i32
    %dma_start3A_3 = arith.constant 0 : i32
    %dma_start3A_4 = arith.constant 0 : i32
    %dma_start3A_5 = tpu.memref_slice %arg6[%dma_start3A_1, %dma_start3A_3, %dma_start3A_4] : memref<4x128x128xf32, #tpu.memory_space<vmem>> -> memref<1x128x128xf32, #tpu.memory_space<vmem>>
    %dma_start3A_6 = tpu.memref_squeeze %dma_start3A_5 : memref<1x128x128xf32, #tpu.memory_space<vmem>> -> memref<128x128xf32, #tpu.memory_space<vmem>>
    %dma_start3A_7 = arith.constant 0 : i32
    %dma_start3A_8 = tpu.memref_slice %arg5[%dma_start3A, %dma_start3A_7] : memref<32x128xi32, #tpu.memory_space<vmem>> -> memref<1x128xi32, #tpu.memory_space<vmem>>
    %dma_start3A_9 = tpu.memref_squeeze %dma_start3A_8 : memref<1x128xi32, #tpu.memory_space<vmem>> -> memref<128xi32, #tpu.memory_space<vmem>>
    %dma_start3A_10 = arith.constant 0 : i32
    %dma_start3A_11 = arith.constant 0 : i32
    %dma_start3A_12 = tpu.memref_slice %arg2[%dma_start3A_10, %dma_start3A_11] : memref<131072x128xf32, #tpu.memory_space<hbm>> -> memref<131072x128xf32, #tpu.memory_space<hbm>>
    %dma_start3A_13 = tpu.memref_slice %arg7[%dma_start3A_2] : memref<4x!tpu.dma_semaphore, #tpu.memory_space<semaphore_mem>> -> memref<1x!tpu.dma_semaphore, #tpu.memory_space<semaphore_mem>>
    %dma_start3A_14 = tpu.memref_squeeze %dma_start3A_13 : memref<1x!tpu.dma_semaphore, #tpu.memory_space<semaphore_mem>> -> memref<!tpu.dma_semaphore, #tpu.memory_space<semaphore_mem>>
    tpu.enqueue_indirect_dma source(%dma_start3A_12 : memref<131072x128xf32, #tpu.memory_space<hbm>>) target(%dma_start3A_6 : memref<128x128xf32, #tpu.memory_space<vmem>>) offsets(%dma_start3A_9 : memref<128xi32, #tpu.memory_space<vmem>>) semaphore(%dma_start3A_14 : memref<!tpu.dma_semaphore, #tpu.memory_space<semaphore_mem>>)
    %dma_start3A_15 = arith.constant 1 : i32
    %dma_start3A_16 = arith.constant 1 : i32
    %dma_start3A_17 = arith.constant 1 : i32
    %dma_start3A_18 = arith.constant 0 : i32
    %dma_start3A_19 = arith.constant 0 : i32
    %dma_start3A_20 = tpu.memref_slice %arg6[%dma_start3A_16, %dma_start3A_18, %dma_start3A_19] : memref<4x128x128xf32, #tpu.memory_space<vmem>> -> memref<1x128x128xf32, #tpu.memory_space<vmem>>
    %dma_start3A_21 = tpu.memref_squeeze %dma_start3A_20 : memref<1x128x128xf32, #tpu.memory_space<vmem>> -> memref<128x128xf32, #tpu.memory_space<vmem>>
    %dma_start3A_22 = arith.constant 0 : i32
    %dma_start3A_23 = tpu.memref_slice %arg5[%dma_start3A_15, %dma_start3A_22] : memref<32x128xi32, #tpu.memory_space<vmem>> -> memref<1x128xi32, #tpu.memory_space<vmem>>
    %dma_start3A_24 = tpu.memref_squeeze %dma_start3A_23 : memref<1x128xi32, #tpu.memory_space<vmem>> -> memref<128xi32, #tpu.memory_space<vmem>>
    %dma_start3A_25 = arith.constant 0 : i32
    %dma_start3A_26 = arith.constant 0 : i32
    %dma_start3A_27 = tpu.memref_slice %arg2[%dma_start3A_25, %dma_start3A_26] : memref<131072x128xf32, #tpu.memory_space<hbm>> -> memref<131072x128xf32, #tpu.memory_space<hbm>>
    %dma_start3A_28 = tpu.memref_slice %arg7[%dma_start3A_17] : memref<4x!tpu.dma_semaphore, #tpu.memory_space<semaphore_mem>> -> memref<1x!tpu.dma_semaphore, #tpu.memory_space<semaphore_mem>>
    %dma_start3A_29 = tpu.memref_squeeze %dma_start3A_28 : memref<1x!tpu.dma_semaphore, #tpu.memory_space<semaphore_mem>> -> memref<!tpu.dma_semaphore, #tpu.memory_space<semaphore_mem>>
    tpu.enqueue_indirect_dma source(%dma_start3A_27 : memref<131072x128xf32, #tpu.memory_space<hbm>>) target(%dma_start3A_21 : memref<128x128xf32, #tpu.memory_space<vmem>>) offsets(%dma_start3A_24 : memref<128xi32, #tpu.memory_space<vmem>>) semaphore(%dma_start3A_29 : memref<!tpu.dma_semaphore, #tpu.memory_space<semaphore_mem>>)
    %dma_start3A_30 = arith.constant 2 : i32
    %dma_start3A_31 = arith.constant 2 : i32
    %dma_start3A_32 = arith.constant 2 : i32
    %dma_start3A_33 = arith.constant 0 : i32
    %dma_start3A_34 = arith.constant 0 : i32
    %dma_start3A_35 = tpu.memref_slice %arg6[%dma_start3A_31, %dma_start3A_33, %dma_start3A_34] : memref<4x128x128xf32, #tpu.memory_space<vmem>> -> memref<1x128x128xf32, #tpu.memory_space<vmem>>
    %dma_start3A_36 = tpu.memref_squeeze %dma_start3A_35 : memref<1x128x128xf32, #tpu.memory_space<vmem>> -> memref<128x128xf32, #tpu.memory_space<vmem>>
    %dma_start3A_37 = arith.constant 0 : i32
    %dma_start3A_38 = tpu.memref_slice %arg5[%dma_start3A_30, %dma_start3A_37] : memref<32x128xi32, #tpu.memory_space<vmem>> -> memref<1x128xi32, #tpu.memory_space<vmem>>
    %dma_start3A_39 = tpu.memref_squeeze %dma_start3A_38 : memref<1x128xi32, #tpu.memory_space<vmem>> -> memref<128xi32, #tpu.memory_space<vmem>>
    %dma_start3A_40 = arith.constant 0 : i32
    %dma_start3A_41 = arith.constant 0 : i32
    %dma_start3A_42 = tpu.memref_slice %arg2[%dma_start3A_40, %dma_start3A_41] : memref<131072x128xf32, #tpu.memory_space<hbm>> -> memref<131072x128xf32, #tpu.memory_space<hbm>>
    %dma_start3A_43 = tpu.memref_slice %arg7[%dma_start3A_32] : memref<4x!tpu.dma_semaphore, #tpu.memory_space<semaphore_mem>> -> memref<1x!tpu.dma_semaphore, #tpu.memory_space<semaphore_mem>>
    %dma_start3A_44 = tpu.memref_squeeze %dma_start3A_43 : memref<1x!tpu.dma_semaphore, #tpu.memory_space<semaphore_mem>> -> memref<!tpu.dma_semaphore, #tpu.memory_space<semaphore_mem>>
    tpu.enqueue_indirect_dma source(%dma_start3A_42 : memref<131072x128xf32, #tpu.memory_space<hbm>>) target(%dma_start3A_36 : memref<128x128xf32, #tpu.memory_space<vmem>>) offsets(%dma_start3A_39 : memref<128xi32, #tpu.memory_space<vmem>>) semaphore(%dma_start3A_44 : memref<!tpu.dma_semaphore, #tpu.memory_space<semaphore_mem>>)
    %scan3A = arith.constant 0 : i32
    %scan3A_45 = arith.constant 0 : i32
    %scan3A_46 = arith.constant 8 : i32
    %scan3A_47 = arith.addi %scan3A_45, %scan3A_46 : i32
    %scan3A_48 = arith.constant 1 : i32
    scf.for %scan3A_69 = %scan3A_45 to %scan3A_47 step %scan3A_48  : i32 {
      %mul3A_70 = arith.constant 4 : i32
      %mul3A_71 = arith.muli %scan3A_69, %mul3A_70 : i32
      %add3A_72 = arith.constant 0 : i32
      %add3A_73 = arith.addi %mul3A_71, %add3A_72 : i32
      %dma_wait3A_74 = arith.constant 0 : i32
      %dma_wait3A_75 = arith.constant 0 : i32
      %dma_wait3A_76 = arith.constant 0 : i32
      %dma_wait3A_77 = arith.constant 0 : i32
      %dma_wait3A_78 = tpu.memref_slice %arg6[%dma_wait3A_74, %dma_wait3A_76, %dma_wait3A_77] : memref<4x128x128xf32, #tpu.memory_space<vmem>> -> memref<1x128x128xf32, #tpu.memory_space<vmem>>
      %dma_wait3A_79 = tpu.memref_squeeze %dma_wait3A_78 : memref<1x128x128xf32, #tpu.memory_space<vmem>> -> memref<128x128xf32, #tpu.memory_space<vmem>>
      %dma_wait3A_80 = arith.constant 0 : i32
      %dma_wait3A_81 = tpu.memref_slice %arg5[%add3A_73, %dma_wait3A_80] : memref<32x128xi32, #tpu.memory_space<vmem>> -> memref<1x128xi32, #tpu.memory_space<vmem>>
      %dma_wait3A_82 = tpu.memref_squeeze %dma_wait3A_81 : memref<1x128xi32, #tpu.memory_space<vmem>> -> memref<128xi32, #tpu.memory_space<vmem>>
      %dma_wait3A_83 = arith.constant 0 : i32
      %dma_wait3A_84 = arith.constant 0 : i32
      %dma_wait3A_85 = tpu.memref_slice %arg2[%dma_wait3A_83, %dma_wait3A_84] : memref<131072x128xf32, #tpu.memory_space<hbm>> -> memref<131072x128xf32, #tpu.memory_space<hbm>>
      %dma_wait3A_86 = tpu.memref_slice %arg7[%dma_wait3A_75] : memref<4x!tpu.dma_semaphore, #tpu.memory_space<semaphore_mem>> -> memref<1x!tpu.dma_semaphore, #tpu.memory_space<semaphore_mem>>
      %dma_wait3A_87 = tpu.memref_squeeze %dma_wait3A_86 : memref<1x!tpu.dma_semaphore, #tpu.memory_space<semaphore_mem>> -> memref<!tpu.dma_semaphore, #tpu.memory_space<semaphore_mem>>
      tpu.wait_indirect_dma semaphore(%dma_wait3A_87 : memref<!tpu.dma_semaphore, #tpu.memory_space<semaphore_mem>>) src(%dma_wait3A_85 : memref<131072x128xf32, #tpu.memory_space<hbm>>) dst(%dma_wait3A_79 : memref<128x128xf32, #tpu.memory_space<vmem>>)
      %mul3A_88 = arith.constant 128 : i32
      %mul3A_89 = arith.muli %add3A_73, %mul3A_88 : i32
      %dma_start3A_90 = arith.constant 0 : i32
      %dma_start3A_91 = arith.constant 0 : i32
      %dma_start3A_92 = arith.constant 0 : i32
      %dma_start3A_93 = arith.constant 0 : i32
      %dma_start3A_94 = tpu.memref_slice %arg6[%dma_start3A_90, %dma_start3A_92, %dma_start3A_93] : memref<4x128x128xf32, #tpu.memory_space<vmem>> -> memref<1x128x128xf32, #tpu.memory_space<vmem>>
      %dma_start3A_95 = tpu.memref_squeeze %dma_start3A_94 : memref<1x128x128xf32, #tpu.memory_space<vmem>> -> memref<128x128xf32, #tpu.memory_space<vmem>>
      %dma_start3A_96 = arith.constant 0 : i32
      %dma_start3A_97 = tpu.memref_slice %arg4[%add3A, %mul3A_89, %dma_start3A_96] : memref<32x4096x128xf32, #tpu.memory_space<hbm>> -> memref<1x128x128xf32, #tpu.memory_space<hbm>>
      %dma_start3A_98 = tpu.memref_squeeze %dma_start3A_97 : memref<1x128x128xf32, #tpu.memory_space<hbm>> -> memref<128x128xf32, #tpu.memory_space<hbm>>
      %dma_start3A_99 = tpu.memref_slice %arg8[%dma_start3A_91] : memref<4x!tpu.dma_semaphore, #tpu.memory_space<semaphore_mem>> -> memref<1x!tpu.dma_semaphore, #tpu.memory_space<semaphore_mem>>
      %dma_start3A_100 = tpu.memref_squeeze %dma_start3A_99 : memref<1x!tpu.dma_semaphore, #tpu.memory_space<semaphore_mem>> -> memref<!tpu.dma_semaphore, #tpu.memory_space<semaphore_mem>>
      %dma_start3A_101 = arith.constant 0 : i32
      %dma_start3A_102 = tpu.memref_slice %arg4[%add3A, %mul3A_89, %dma_start3A_101] : memref<32x4096x128xf32, #tpu.memory_space<hbm>> -> memref<1x128x128xf32, #tpu.memory_space<hbm>>
      %dma_start3A_103 = tpu.memref_squeeze %dma_start3A_102 : memref<1x128x128xf32, #tpu.memory_space<hbm>> -> memref<128x128xf32, #tpu.memory_space<hbm>>
      %dma_start3A_104 = arith.constant 0 : i32
      %dma_start3A_105 = arith.constant 0 : i32
      %dma_start3A_106 = tpu.memref_slice %arg6[%dma_start3A_90, %dma_start3A_104, %dma_start3A_105] : memref<4x128x128xf32, #tpu.memory_space<vmem>> -> memref<1x128x128xf32, #tpu.memory_space<vmem>>
      %dma_start3A_107 = tpu.memref_squeeze %dma_start3A_106 : memref<1x128x128xf32, #tpu.memory_space<vmem>> -> memref<128x128xf32, #tpu.memory_space<vmem>>
      tpu.enqueue_dma source(%dma_start3A_107 : memref<128x128xf32, #tpu.memory_space<vmem>>) target(%dma_start3A_103 : memref<128x128xf32, #tpu.memory_space<hbm>>) target_semaphore(%dma_start3A_100 : memref<!tpu.dma_semaphore, #tpu.memory_space<semaphore_mem>>)
      %ge3A = arith.constant 1 : i32
      %ge3A_108 = arith.cmpi sge, %add3A_73, %ge3A : i32
      %convert_element_type3A = arith.extui %ge3A_108 : i1 to i32
      %cond3A = arith.constant 0 : i32
      %cond3A_109 = arith.cmpi ne, %convert_element_type3A, %cond3A : i32
      scf.if %cond3A_109 {
        %sub3A = arith.constant 1 : i32
        %sub3A_266 = arith.subi %add3A_73, %sub3A : i32
        %sub3A_267 = arith.constant 1 : i32
        %sub3A_268 = arith.subi %add3A_73, %sub3A_267 : i32
        %jit3A = arith.constant 4 : i32
        %eq3A = arith.constant 0 : i32
        %eq3A_269 = arith.cmpi eq, %jit3A, %eq3A : i32
        %jit3A_270 = arith.constant 1 : i32
        %select_n3A = arith.select %eq3A_269, %jit3A_270, %jit3A : i32
        %rem3A = arith.remsi %sub3A_268, %select_n3A : i32
        %ne3A = arith.constant 0 : i32
        %ne3A_271 = arith.cmpi ne, %rem3A, %ne3A : i32
        %lt3A_272 = arith.constant 0 : i32
        %lt3A_273 = arith.cmpi slt, %rem3A, %lt3A_272 : i32
        %lt3A_274 = arith.constant 0 : i32
        %lt3A_275 = arith.cmpi slt, %select_n3A, %lt3A_274 : i32
        %ne3A_276 = arith.xori %lt3A_273, %lt3A_275 : i1
        %and3A = arith.andi %ne3A_276, %ne3A_271 : i1
        %add3A_277 = arith.addi %rem3A, %select_n3A : i32
        %select_n3A_278 = arith.select %and3A, %add3A_277, %rem3A : i32
        %mul3A_279 = arith.constant 128 : i32
        %mul3A_280 = arith.muli %sub3A_266, %mul3A_279 : i32
        %dma_wait3A_281 = arith.constant 0 : i32
        %dma_wait3A_282 = arith.constant 0 : i32
        %dma_wait3A_283 = tpu.memref_slice %arg6[%select_n3A_278, %dma_wait3A_281, %dma_wait3A_282] : memref<4x128x128xf32, #tpu.memory_space<vmem>> -> memref<1x128x128xf32, #tpu.memory_space<vmem>>
        %dma_wait3A_284 = tpu.memref_squeeze %dma_wait3A_283 : memref<1x128x128xf32, #tpu.memory_space<vmem>> -> memref<128x128xf32, #tpu.memory_space<vmem>>
        %dma_wait3A_285 = arith.constant 0 : i32
        %dma_wait3A_286 = tpu.memref_slice %arg4[%add3A, %mul3A_280, %dma_wait3A_285] : memref<32x4096x128xf32, #tpu.memory_space<hbm>> -> memref<1x128x128xf32, #tpu.memory_space<hbm>>
        %dma_wait3A_287 = tpu.memref_squeeze %dma_wait3A_286 : memref<1x128x128xf32, #tpu.memory_space<hbm>> -> memref<128x128xf32, #tpu.memory_space<hbm>>
        %dma_wait3A_288 = tpu.memref_slice %arg8[%select_n3A_278] : memref<4x!tpu.dma_semaphore, #tpu.memory_space<semaphore_mem>> -> memref<1x!tpu.dma_semaphore, #tpu.memory_space<semaphore_mem>>
        %dma_wait3A_289 = tpu.memref_squeeze %dma_wait3A_288 : memref<1x!tpu.dma_semaphore, #tpu.memory_space<semaphore_mem>> -> memref<!tpu.dma_semaphore, #tpu.memory_space<semaphore_mem>>
        %dma_wait3A_290 = arith.constant 0 : i32
        %dma_wait3A_291 = tpu.memref_slice %arg4[%add3A, %mul3A_280, %dma_wait3A_290] : memref<32x4096x128xf32, #tpu.memory_space<hbm>> -> memref<1x128x128xf32, #tpu.memory_space<hbm>>
        %dma_wait3A_292 = tpu.memref_squeeze %dma_wait3A_291 : memref<1x128x128xf32, #tpu.memory_space<hbm>> -> memref<128x128xf32, #tpu.memory_space<hbm>>
        %dma_wait3A_293 = arith.constant 0 : i32
        %dma_wait3A_294 = arith.constant 0 : i32
        %dma_wait3A_295 = tpu.memref_slice %arg6[%select_n3A_278, %dma_wait3A_293, %dma_wait3A_294] : memref<4x128x128xf32, #tpu.memory_space<vmem>> -> memref<1x128x128xf32, #tpu.memory_space<vmem>>
        %dma_wait3A_296 = tpu.memref_squeeze %dma_wait3A_295 : memref<1x128x128xf32, #tpu.memory_space<vmem>> -> memref<128x128xf32, #tpu.memory_space<vmem>>
        tpu.wait_dma2 semaphore(%dma_wait3A_289 : memref<!tpu.dma_semaphore, #tpu.memory_space<semaphore_mem>>) src(%dma_wait3A_296 : memref<128x128xf32, #tpu.memory_space<vmem>>) dst(%dma_wait3A_292 : memref<128x128xf32, #tpu.memory_space<hbm>>)
      } else {
      }
      %add3A_110 = arith.constant 3 : i32
      %add3A_111 = arith.addi %add3A_73, %add3A_110 : i32
      %lt3A = arith.constant 32 : i32
      %lt3A_112 = arith.cmpi slt, %add3A_111, %lt3A : i32
      %convert_element_type3A_113 = arith.extui %lt3A_112 : i1 to i32
      %cond3A_114 = arith.constant 0 : i32
      %cond3A_115 = arith.cmpi ne, %convert_element_type3A_113, %cond3A_114 : i32
      scf.if %cond3A_115 {
        %add3A_266 = arith.constant 3 : i32
        %add3A_267 = arith.addi %add3A_73, %add3A_266 : i32
        %add3A_268 = arith.constant 3 : i32
        %add3A_269 = arith.addi %add3A_73, %add3A_268 : i32
        %jit3A = arith.constant 4 : i32
        %eq3A = arith.constant 0 : i32
        %eq3A_270 = arith.cmpi eq, %jit3A, %eq3A : i32
        %jit3A_271 = arith.constant 1 : i32
        %select_n3A = arith.select %eq3A_270, %jit3A_271, %jit3A : i32
        %rem3A = arith.remsi %add3A_269, %select_n3A : i32
        %ne3A = arith.constant 0 : i32
        %ne3A_272 = arith.cmpi ne, %rem3A, %ne3A : i32
        %lt3A_273 = arith.constant 0 : i32
        %lt3A_274 = arith.cmpi slt, %rem3A, %lt3A_273 : i32
        %lt3A_275 = arith.constant 0 : i32
        %lt3A_276 = arith.cmpi slt, %select_n3A, %lt3A_275 : i32
        %ne3A_277 = arith.xori %lt3A_274, %lt3A_276 : i1
        %and3A = arith.andi %ne3A_277, %ne3A_272 : i1
        %add3A_278 = arith.addi %rem3A, %select_n3A : i32
        %select_n3A_279 = arith.select %and3A, %add3A_278, %rem3A : i32
        %dma_start3A_280 = arith.constant 0 : i32
        %dma_start3A_281 = arith.constant 0 : i32
        %dma_start3A_282 = tpu.memref_slice %arg6[%select_n3A_279, %dma_start3A_280, %dma_start3A_281] : memref<4x128x128xf32, #tpu.memory_space<vmem>> -> memref<1x128x128xf32, #tpu.memory_space<vmem>>
        %dma_start3A_283 = tpu.memref_squeeze %dma_start3A_282 : memref<1x128x128xf32, #tpu.memory_space<vmem>> -> memref<128x128xf32, #tpu.memory_space<vmem>>
        %dma_start3A_284 = arith.constant 0 : i32
        %dma_start3A_285 = tpu.memref_slice %arg5[%add3A_267, %dma_start3A_284] : memref<32x128xi32, #tpu.memory_space<vmem>> -> memref<1x128xi32, #tpu.memory_space<vmem>>
        %dma_start3A_286 = tpu.memref_squeeze %dma_start3A_285 : memref<1x128xi32, #tpu.memory_space<vmem>> -> memref<128xi32, #tpu.memory_space<vmem>>
        %dma_start3A_287 = arith.constant 0 : i32
        %dma_start3A_288 = arith.constant 0 : i32
        %dma_start3A_289 = tpu.memref_slice %arg2[%dma_start3A_287, %dma_start3A_288] : memref<131072x128xf32, #tpu.memory_space<hbm>> -> memref<131072x128xf32, #tpu.memory_space<hbm>>
        %dma_start3A_290 = tpu.memref_slice %arg7[%select_n3A_279] : memref<4x!tpu.dma_semaphore, #tpu.memory_space<semaphore_mem>> -> memref<1x!tpu.dma_semaphore, #tpu.memory_space<semaphore_mem>>
        %dma_start3A_291 = tpu.memref_squeeze %dma_start3A_290 : memref<1x!tpu.dma_semaphore, #tpu.memory_space<semaphore_mem>> -> memref<!tpu.dma_semaphore, #tpu.memory_space<semaphore_mem>>
        tpu.enqueue_indirect_dma source(%dma_start3A_289 : memref<131072x128xf32, #tpu.memory_space<hbm>>) target(%dma_start3A_283 : memref<128x128xf32, #tpu.memory_space<vmem>>) offsets(%dma_start3A_286 : memref<128xi32, #tpu.memory_space<vmem>>) semaphore(%dma_start3A_291 : memref<!tpu.dma_semaphore, #tpu.memory_space<semaphore_mem>>)
      } else {
      }
      %mul3A_116 = arith.constant 4 : i32
      %mul3A_117 = arith.muli %scan3A_69, %mul3A_116 : i32
      %add3A_118 = arith.constant 1 : i32
      %add3A_119 = arith.addi %mul3A_117, %add3A_118 : i32
      %dma_wait3A_120 = arith.constant 1 : i32
      %dma_wait3A_121 = arith.constant 1 : i32
      %dma_wait3A_122 = arith.constant 0 : i32
      %dma_wait3A_123 = arith.constant 0 : i32
      %dma_wait3A_124 = tpu.memref_slice %arg6[%dma_wait3A_120, %dma_wait3A_122, %dma_wait3A_123] : memref<4x128x128xf32, #tpu.memory_space<vmem>> -> memref<1x128x128xf32, #tpu.memory_space<vmem>>
      %dma_wait3A_125 = tpu.memref_squeeze %dma_wait3A_124 : memref<1x128x128xf32, #tpu.memory_space<vmem>> -> memref<128x128xf32, #tpu.memory_space<vmem>>
      %dma_wait3A_126 = arith.constant 0 : i32
      %dma_wait3A_127 = tpu.memref_slice %arg5[%add3A_119, %dma_wait3A_126] : memref<32x128xi32, #tpu.memory_space<vmem>> -> memref<1x128xi32, #tpu.memory_space<vmem>>
      %dma_wait3A_128 = tpu.memref_squeeze %dma_wait3A_127 : memref<1x128xi32, #tpu.memory_space<vmem>> -> memref<128xi32, #tpu.memory_space<vmem>>
      %dma_wait3A_129 = arith.constant 0 : i32
      %dma_wait3A_130 = arith.constant 0 : i32
      %dma_wait3A_131 = tpu.memref_slice %arg2[%dma_wait3A_129, %dma_wait3A_130] : memref<131072x128xf32, #tpu.memory_space<hbm>> -> memref<131072x128xf32, #tpu.memory_space<hbm>>
      %dma_wait3A_132 = tpu.memref_slice %arg7[%dma_wait3A_121] : memref<4x!tpu.dma_semaphore, #tpu.memory_space<semaphore_mem>> -> memref<1x!tpu.dma_semaphore, #tpu.memory_space<semaphore_mem>>
      %dma_wait3A_133 = tpu.memref_squeeze %dma_wait3A_132 : memref<1x!tpu.dma_semaphore, #tpu.memory_space<semaphore_mem>> -> memref<!tpu.dma_semaphore, #tpu.memory_space<semaphore_mem>>
      tpu.wait_indirect_dma semaphore(%dma_wait3A_133 : memref<!tpu.dma_semaphore, #tpu.memory_space<semaphore_mem>>) src(%dma_wait3A_131 : memref<131072x128xf32, #tpu.memory_space<hbm>>) dst(%dma_wait3A_125 : memref<128x128xf32, #tpu.memory_space<vmem>>)
      %mul3A_134 = arith.constant 128 : i32
      %mul3A_135 = arith.muli %add3A_119, %mul3A_134 : i32
      %dma_start3A_136 = arith.constant 1 : i32
      %dma_start3A_137 = arith.constant 1 : i32
      %dma_start3A_138 = arith.constant 0 : i32
      %dma_start3A_139 = arith.constant 0 : i32
      %dma_start3A_140 = tpu.memref_slice %arg6[%dma_start3A_136, %dma_start3A_138, %dma_start3A_139] : memref<4x128x128xf32, #tpu.memory_space<vmem>> -> memref<1x128x128xf32, #tpu.memory_space<vmem>>
      %dma_start3A_141 = tpu.memref_squeeze %dma_start3A_140 : memref<1x128x128xf32, #tpu.memory_space<vmem>> -> memref<128x128xf32, #tpu.memory_space<vmem>>
      %dma_start3A_142 = arith.constant 0 : i32
      %dma_start3A_143 = tpu.memref_slice %arg4[%add3A, %mul3A_135, %dma_start3A_142] : memref<32x4096x128xf32, #tpu.memory_space<hbm>> -> memref<1x128x128xf32, #tpu.memory_space<hbm>>
      %dma_start3A_144 = tpu.memref_squeeze %dma_start3A_143 : memref<1x128x128xf32, #tpu.memory_space<hbm>> -> memref<128x128xf32, #tpu.memory_space<hbm>>
      %dma_start3A_145 = tpu.memref_slice %arg8[%dma_start3A_137] : memref<4x!tpu.dma_semaphore, #tpu.memory_space<semaphore_mem>> -> memref<1x!tpu.dma_semaphore, #tpu.memory_space<semaphore_mem>>
      %dma_start3A_146 = tpu.memref_squeeze %dma_start3A_145 : memref<1x!tpu.dma_semaphore, #tpu.memory_space<semaphore_mem>> -> memref<!tpu.dma_semaphore, #tpu.memory_space<semaphore_mem>>
      %dma_start3A_147 = arith.constant 0 : i32
      %dma_start3A_148 = tpu.memref_slice %arg4[%add3A, %mul3A_135, %dma_start3A_147] : memref<32x4096x128xf32, #tpu.memory_space<hbm>> -> memref<1x128x128xf32, #tpu.memory_space<hbm>>
      %dma_start3A_149 = tpu.memref_squeeze %dma_start3A_148 : memref<1x128x128xf32, #tpu.memory_space<hbm>> -> memref<128x128xf32, #tpu.memory_space<hbm>>
      %dma_start3A_150 = arith.constant 0 : i32
      %dma_start3A_151 = arith.constant 0 : i32
      %dma_start3A_152 = tpu.memref_slice %arg6[%dma_start3A_136, %dma_start3A_150, %dma_start3A_151] : memref<4x128x128xf32, #tpu.memory_space<vmem>> -> memref<1x128x128xf32, #tpu.memory_space<vmem>>
      %dma_start3A_153 = tpu.memref_squeeze %dma_start3A_152 : memref<1x128x128xf32, #tpu.memory_space<vmem>> -> memref<128x128xf32, #tpu.memory_space<vmem>>
      tpu.enqueue_dma source(%dma_start3A_153 : memref<128x128xf32, #tpu.memory_space<vmem>>) target(%dma_start3A_149 : memref<128x128xf32, #tpu.memory_space<hbm>>) target_semaphore(%dma_start3A_146 : memref<!tpu.dma_semaphore, #tpu.memory_space<semaphore_mem>>)
      %ge3A_154 = arith.constant 1 : i32
      %ge3A_155 = arith.cmpi sge, %add3A_119, %ge3A_154 : i32
      %convert_element_type3A_156 = arith.extui %ge3A_155 : i1 to i32
      %cond3A_157 = arith.constant 0 : i32
      %cond3A_158 = arith.cmpi ne, %convert_element_type3A_156, %cond3A_157 : i32
      scf.if %cond3A_158 {
        %sub3A = arith.constant 1 : i32
        %sub3A_266 = arith.subi %add3A_119, %sub3A : i32
        %sub3A_267 = arith.constant 1 : i32
        %sub3A_268 = arith.subi %add3A_119, %sub3A_267 : i32
        %jit3A = arith.constant 4 : i32
        %eq3A = arith.constant 0 : i32
        %eq3A_269 = arith.cmpi eq, %jit3A, %eq3A : i32
        %jit3A_270 = arith.constant 1 : i32
        %select_n3A = arith.select %eq3A_269, %jit3A_270, %jit3A : i32
        %rem3A = arith.remsi %sub3A_268, %select_n3A : i32
        %ne3A = arith.constant 0 : i32
        %ne3A_271 = arith.cmpi ne, %rem3A, %ne3A : i32
        %lt3A_272 = arith.constant 0 : i32
        %lt3A_273 = arith.cmpi slt, %rem3A, %lt3A_272 : i32
        %lt3A_274 = arith.constant 0 : i32
        %lt3A_275 = arith.cmpi slt, %select_n3A, %lt3A_274 : i32
        %ne3A_276 = arith.xori %lt3A_273, %lt3A_275 : i1
        %and3A = arith.andi %ne3A_276, %ne3A_271 : i1
        %add3A_277 = arith.addi %rem3A, %select_n3A : i32
        %select_n3A_278 = arith.select %and3A, %add3A_277, %rem3A : i32
        %mul3A_279 = arith.constant 128 : i32
        %mul3A_280 = arith.muli %sub3A_266, %mul3A_279 : i32
        %dma_wait3A_281 = arith.constant 0 : i32
        %dma_wait3A_282 = arith.constant 0 : i32
        %dma_wait3A_283 = tpu.memref_slice %arg6[%select_n3A_278, %dma_wait3A_281, %dma_wait3A_282] : memref<4x128x128xf32, #tpu.memory_space<vmem>> -> memref<1x128x128xf32, #tpu.memory_space<vmem>>
        %dma_wait3A_284 = tpu.memref_squeeze %dma_wait3A_283 : memref<1x128x128xf32, #tpu.memory_space<vmem>> -> memref<128x128xf32, #tpu.memory_space<vmem>>
        %dma_wait3A_285 = arith.constant 0 : i32
        %dma_wait3A_286 = tpu.memref_slice %arg4[%add3A, %mul3A_280, %dma_wait3A_285] : memref<32x4096x128xf32, #tpu.memory_space<hbm>> -> memref<1x128x128xf32, #tpu.memory_space<hbm>>
        %dma_wait3A_287 = tpu.memref_squeeze %dma_wait3A_286 : memref<1x128x128xf32, #tpu.memory_space<hbm>> -> memref<128x128xf32, #tpu.memory_space<hbm>>
        %dma_wait3A_288 = tpu.memref_slice %arg8[%select_n3A_278] : memref<4x!tpu.dma_semaphore, #tpu.memory_space<semaphore_mem>> -> memref<1x!tpu.dma_semaphore, #tpu.memory_space<semaphore_mem>>
        %dma_wait3A_289 = tpu.memref_squeeze %dma_wait3A_288 : memref<1x!tpu.dma_semaphore, #tpu.memory_space<semaphore_mem>> -> memref<!tpu.dma_semaphore, #tpu.memory_space<semaphore_mem>>
        %dma_wait3A_290 = arith.constant 0 : i32
        %dma_wait3A_291 = tpu.memref_slice %arg4[%add3A, %mul3A_280, %dma_wait3A_290] : memref<32x4096x128xf32, #tpu.memory_space<hbm>> -> memref<1x128x128xf32, #tpu.memory_space<hbm>>
        %dma_wait3A_292 = tpu.memref_squeeze %dma_wait3A_291 : memref<1x128x128xf32, #tpu.memory_space<hbm>> -> memref<128x128xf32, #tpu.memory_space<hbm>>
        %dma_wait3A_293 = arith.constant 0 : i32
        %dma_wait3A_294 = arith.constant 0 : i32
        %dma_wait3A_295 = tpu.memref_slice %arg6[%select_n3A_278, %dma_wait3A_293, %dma_wait3A_294] : memref<4x128x128xf32, #tpu.memory_space<vmem>> -> memref<1x128x128xf32, #tpu.memory_space<vmem>>
        %dma_wait3A_296 = tpu.memref_squeeze %dma_wait3A_295 : memref<1x128x128xf32, #tpu.memory_space<vmem>> -> memref<128x128xf32, #tpu.memory_space<vmem>>
        tpu.wait_dma2 semaphore(%dma_wait3A_289 : memref<!tpu.dma_semaphore, #tpu.memory_space<semaphore_mem>>) src(%dma_wait3A_296 : memref<128x128xf32, #tpu.memory_space<vmem>>) dst(%dma_wait3A_292 : memref<128x128xf32, #tpu.memory_space<hbm>>)
      } else {
      }
      %add3A_159 = arith.constant 3 : i32
      %add3A_160 = arith.addi %add3A_119, %add3A_159 : i32
      %lt3A_161 = arith.constant 32 : i32
      %lt3A_162 = arith.cmpi slt, %add3A_160, %lt3A_161 : i32
      %convert_element_type3A_163 = arith.extui %lt3A_162 : i1 to i32
      %cond3A_164 = arith.constant 0 : i32
      %cond3A_165 = arith.cmpi ne, %convert_element_type3A_163, %cond3A_164 : i32
      scf.if %cond3A_165 {
        %add3A_266 = arith.constant 3 : i32
        %add3A_267 = arith.addi %add3A_119, %add3A_266 : i32
        %add3A_268 = arith.constant 3 : i32
        %add3A_269 = arith.addi %add3A_119, %add3A_268 : i32
        %jit3A = arith.constant 4 : i32
        %eq3A = arith.constant 0 : i32
        %eq3A_270 = arith.cmpi eq, %jit3A, %eq3A : i32
        %jit3A_271 = arith.constant 1 : i32
        %select_n3A = arith.select %eq3A_270, %jit3A_271, %jit3A : i32
        %rem3A = arith.remsi %add3A_269, %select_n3A : i32
        %ne3A = arith.constant 0 : i32
        %ne3A_272 = arith.cmpi ne, %rem3A, %ne3A : i32
        %lt3A_273 = arith.constant 0 : i32
        %lt3A_274 = arith.cmpi slt, %rem3A, %lt3A_273 : i32
        %lt3A_275 = arith.constant 0 : i32
        %lt3A_276 = arith.cmpi slt, %select_n3A, %lt3A_275 : i32
        %ne3A_277 = arith.xori %lt3A_274, %lt3A_276 : i1
        %and3A = arith.andi %ne3A_277, %ne3A_272 : i1
        %add3A_278 = arith.addi %rem3A, %select_n3A : i32
        %select_n3A_279 = arith.select %and3A, %add3A_278, %rem3A : i32
        %dma_start3A_280 = arith.constant 0 : i32
        %dma_start3A_281 = arith.constant 0 : i32
        %dma_start3A_282 = tpu.memref_slice %arg6[%select_n3A_279, %dma_start3A_280, %dma_start3A_281] : memref<4x128x128xf32, #tpu.memory_space<vmem>> -> memref<1x128x128xf32, #tpu.memory_space<vmem>>
        %dma_start3A_283 = tpu.memref_squeeze %dma_start3A_282 : memref<1x128x128xf32, #tpu.memory_space<vmem>> -> memref<128x128xf32, #tpu.memory_space<vmem>>
        %dma_start3A_284 = arith.constant 0 : i32
        %dma_start3A_285 = tpu.memref_slice %arg5[%add3A_267, %dma_start3A_284] : memref<32x128xi32, #tpu.memory_space<vmem>> -> memref<1x128xi32, #tpu.memory_space<vmem>>
        %dma_start3A_286 = tpu.memref_squeeze %dma_start3A_285 : memref<1x128xi32, #tpu.memory_space<vmem>> -> memref<128xi32, #tpu.memory_space<vmem>>
        %dma_start3A_287 = arith.constant 0 : i32
        %dma_start3A_288 = arith.constant 0 : i32
        %dma_start3A_289 = tpu.memref_slice %arg2[%dma_start3A_287, %dma_start3A_288] : memref<131072x128xf32, #tpu.memory_space<hbm>> -> memref<131072x128xf32, #tpu.memory_space<hbm>>
        %dma_start3A_290 = tpu.memref_slice %arg7[%select_n3A_279] : memref<4x!tpu.dma_semaphore, #tpu.memory_space<semaphore_mem>> -> memref<1x!tpu.dma_semaphore, #tpu.memory_space<semaphore_mem>>
        %dma_start3A_291 = tpu.memref_squeeze %dma_start3A_290 : memref<1x!tpu.dma_semaphore, #tpu.memory_space<semaphore_mem>> -> memref<!tpu.dma_semaphore, #tpu.memory_space<semaphore_mem>>
        tpu.enqueue_indirect_dma source(%dma_start3A_289 : memref<131072x128xf32, #tpu.memory_space<hbm>>) target(%dma_start3A_283 : memref<128x128xf32, #tpu.memory_space<vmem>>) offsets(%dma_start3A_286 : memref<128xi32, #tpu.memory_space<vmem>>) semaphore(%dma_start3A_291 : memref<!tpu.dma_semaphore, #tpu.memory_space<semaphore_mem>>)
      } else {
      }
      %mul3A_166 = arith.constant 4 : i32
      %mul3A_167 = arith.muli %scan3A_69, %mul3A_166 : i32
      %add3A_168 = arith.constant 2 : i32
      %add3A_169 = arith.addi %mul3A_167, %add3A_168 : i32
      %dma_wait3A_170 = arith.constant 2 : i32
      %dma_wait3A_171 = arith.constant 2 : i32
      %dma_wait3A_172 = arith.constant 0 : i32
      %dma_wait3A_173 = arith.constant 0 : i32
      %dma_wait3A_174 = tpu.memref_slice %arg6[%dma_wait3A_170, %dma_wait3A_172, %dma_wait3A_173] : memref<4x128x128xf32, #tpu.memory_space<vmem>> -> memref<1x128x128xf32, #tpu.memory_space<vmem>>
      %dma_wait3A_175 = tpu.memref_squeeze %dma_wait3A_174 : memref<1x128x128xf32, #tpu.memory_space<vmem>> -> memref<128x128xf32, #tpu.memory_space<vmem>>
      %dma_wait3A_176 = arith.constant 0 : i32
      %dma_wait3A_177 = tpu.memref_slice %arg5[%add3A_169, %dma_wait3A_176] : memref<32x128xi32, #tpu.memory_space<vmem>> -> memref<1x128xi32, #tpu.memory_space<vmem>>
      %dma_wait3A_178 = tpu.memref_squeeze %dma_wait3A_177 : memref<1x128xi32, #tpu.memory_space<vmem>> -> memref<128xi32, #tpu.memory_space<vmem>>
      %dma_wait3A_179 = arith.constant 0 : i32
      %dma_wait3A_180 = arith.constant 0 : i32
      %dma_wait3A_181 = tpu.memref_slice %arg2[%dma_wait3A_179, %dma_wait3A_180] : memref<131072x128xf32, #tpu.memory_space<hbm>> -> memref<131072x128xf32, #tpu.memory_space<hbm>>
      %dma_wait3A_182 = tpu.memref_slice %arg7[%dma_wait3A_171] : memref<4x!tpu.dma_semaphore, #tpu.memory_space<semaphore_mem>> -> memref<1x!tpu.dma_semaphore, #tpu.memory_space<semaphore_mem>>
      %dma_wait3A_183 = tpu.memref_squeeze %dma_wait3A_182 : memref<1x!tpu.dma_semaphore, #tpu.memory_space<semaphore_mem>> -> memref<!tpu.dma_semaphore, #tpu.memory_space<semaphore_mem>>
      tpu.wait_indirect_dma semaphore(%dma_wait3A_183 : memref<!tpu.dma_semaphore, #tpu.memory_space<semaphore_mem>>) src(%dma_wait3A_181 : memref<131072x128xf32, #tpu.memory_space<hbm>>) dst(%dma_wait3A_175 : memref<128x128xf32, #tpu.memory_space<vmem>>)
      %mul3A_184 = arith.constant 128 : i32
      %mul3A_185 = arith.muli %add3A_169, %mul3A_184 : i32
      %dma_start3A_186 = arith.constant 2 : i32
      %dma_start3A_187 = arith.constant 2 : i32
      %dma_start3A_188 = arith.constant 0 : i32
      %dma_start3A_189 = arith.constant 0 : i32
      %dma_start3A_190 = tpu.memref_slice %arg6[%dma_start3A_186, %dma_start3A_188, %dma_start3A_189] : memref<4x128x128xf32, #tpu.memory_space<vmem>> -> memref<1x128x128xf32, #tpu.memory_space<vmem>>
      %dma_start3A_191 = tpu.memref_squeeze %dma_start3A_190 : memref<1x128x128xf32, #tpu.memory_space<vmem>> -> memref<128x128xf32, #tpu.memory_space<vmem>>
      %dma_start3A_192 = arith.constant 0 : i32
      %dma_start3A_193 = tpu.memref_slice %arg4[%add3A, %mul3A_185, %dma_start3A_192] : memref<32x4096x128xf32, #tpu.memory_space<hbm>> -> memref<1x128x128xf32, #tpu.memory_space<hbm>>
      %dma_start3A_194 = tpu.memref_squeeze %dma_start3A_193 : memref<1x128x128xf32, #tpu.memory_space<hbm>> -> memref<128x128xf32, #tpu.memory_space<hbm>>
      %dma_start3A_195 = tpu.memref_slice %arg8[%dma_start3A_187] : memref<4x!tpu.dma_semaphore, #tpu.memory_space<semaphore_mem>> -> memref<1x!tpu.dma_semaphore, #tpu.memory_space<semaphore_mem>>
      %dma_start3A_196 = tpu.memref_squeeze %dma_start3A_195 : memref<1x!tpu.dma_semaphore, #tpu.memory_space<semaphore_mem>> -> memref<!tpu.dma_semaphore, #tpu.memory_space<semaphore_mem>>
      %dma_start3A_197 = arith.constant 0 : i32
      %dma_start3A_198 = tpu.memref_slice %arg4[%add3A, %mul3A_185, %dma_start3A_197] : memref<32x4096x128xf32, #tpu.memory_space<hbm>> -> memref<1x128x128xf32, #tpu.memory_space<hbm>>
      %dma_start3A_199 = tpu.memref_squeeze %dma_start3A_198 : memref<1x128x128xf32, #tpu.memory_space<hbm>> -> memref<128x128xf32, #tpu.memory_space<hbm>>
      %dma_start3A_200 = arith.constant 0 : i32
      %dma_start3A_201 = arith.constant 0 : i32
      %dma_start3A_202 = tpu.memref_slice %arg6[%dma_start3A_186, %dma_start3A_200, %dma_start3A_201] : memref<4x128x128xf32, #tpu.memory_space<vmem>> -> memref<1x128x128xf32, #tpu.memory_space<vmem>>
      %dma_start3A_203 = tpu.memref_squeeze %dma_start3A_202 : memref<1x128x128xf32, #tpu.memory_space<vmem>> -> memref<128x128xf32, #tpu.memory_space<vmem>>
      tpu.enqueue_dma source(%dma_start3A_203 : memref<128x128xf32, #tpu.memory_space<vmem>>) target(%dma_start3A_199 : memref<128x128xf32, #tpu.memory_space<hbm>>) target_semaphore(%dma_start3A_196 : memref<!tpu.dma_semaphore, #tpu.memory_space<semaphore_mem>>)
      %ge3A_204 = arith.constant 1 : i32
      %ge3A_205 = arith.cmpi sge, %add3A_169, %ge3A_204 : i32
      %convert_element_type3A_206 = arith.extui %ge3A_205 : i1 to i32
      %cond3A_207 = arith.constant 0 : i32
      %cond3A_208 = arith.cmpi ne, %convert_element_type3A_206, %cond3A_207 : i32
      scf.if %cond3A_208 {
        %sub3A = arith.constant 1 : i32
        %sub3A_266 = arith.subi %add3A_169, %sub3A : i32
        %sub3A_267 = arith.constant 1 : i32
        %sub3A_268 = arith.subi %add3A_169, %sub3A_267 : i32
        %jit3A = arith.constant 4 : i32
        %eq3A = arith.constant 0 : i32
        %eq3A_269 = arith.cmpi eq, %jit3A, %eq3A : i32
        %jit3A_270 = arith.constant 1 : i32
        %select_n3A = arith.select %eq3A_269, %jit3A_270, %jit3A : i32
        %rem3A = arith.remsi %sub3A_268, %select_n3A : i32
        %ne3A = arith.constant 0 : i32
        %ne3A_271 = arith.cmpi ne, %rem3A, %ne3A : i32
        %lt3A_272 = arith.constant 0 : i32
        %lt3A_273 = arith.cmpi slt, %rem3A, %lt3A_272 : i32
        %lt3A_274 = arith.constant 0 : i32
        %lt3A_275 = arith.cmpi slt, %select_n3A, %lt3A_274 : i32
        %ne3A_276 = arith.xori %lt3A_273, %lt3A_275 : i1
        %and3A = arith.andi %ne3A_276, %ne3A_271 : i1
        %add3A_277 = arith.addi %rem3A, %select_n3A : i32
        %select_n3A_278 = arith.select %and3A, %add3A_277, %rem3A : i32
        %mul3A_279 = arith.constant 128 : i32
        %mul3A_280 = arith.muli %sub3A_266, %mul3A_279 : i32
        %dma_wait3A_281 = arith.constant 0 : i32
        %dma_wait3A_282 = arith.constant 0 : i32
        %dma_wait3A_283 = tpu.memref_slice %arg6[%select_n3A_278, %dma_wait3A_281, %dma_wait3A_282] : memref<4x128x128xf32, #tpu.memory_space<vmem>> -> memref<1x128x128xf32, #tpu.memory_space<vmem>>
        %dma_wait3A_284 = tpu.memref_squeeze %dma_wait3A_283 : memref<1x128x128xf32, #tpu.memory_space<vmem>> -> memref<128x128xf32, #tpu.memory_space<vmem>>
        %dma_wait3A_285 = arith.constant 0 : i32
        %dma_wait3A_286 = tpu.memref_slice %arg4[%add3A, %mul3A_280, %dma_wait3A_285] : memref<32x4096x128xf32, #tpu.memory_space<hbm>> -> memref<1x128x128xf32, #tpu.memory_space<hbm>>
        %dma_wait3A_287 = tpu.memref_squeeze %dma_wait3A_286 : memref<1x128x128xf32, #tpu.memory_space<hbm>> -> memref<128x128xf32, #tpu.memory_space<hbm>>
        %dma_wait3A_288 = tpu.memref_slice %arg8[%select_n3A_278] : memref<4x!tpu.dma_semaphore, #tpu.memory_space<semaphore_mem>> -> memref<1x!tpu.dma_semaphore, #tpu.memory_space<semaphore_mem>>
        %dma_wait3A_289 = tpu.memref_squeeze %dma_wait3A_288 : memref<1x!tpu.dma_semaphore, #tpu.memory_space<semaphore_mem>> -> memref<!tpu.dma_semaphore, #tpu.memory_space<semaphore_mem>>
        %dma_wait3A_290 = arith.constant 0 : i32
        %dma_wait3A_291 = tpu.memref_slice %arg4[%add3A, %mul3A_280, %dma_wait3A_290] : memref<32x4096x128xf32, #tpu.memory_space<hbm>> -> memref<1x128x128xf32, #tpu.memory_space<hbm>>
        %dma_wait3A_292 = tpu.memref_squeeze %dma_wait3A_291 : memref<1x128x128xf32, #tpu.memory_space<hbm>> -> memref<128x128xf32, #tpu.memory_space<hbm>>
        %dma_wait3A_293 = arith.constant 0 : i32
        %dma_wait3A_294 = arith.constant 0 : i32
        %dma_wait3A_295 = tpu.memref_slice %arg6[%select_n3A_278, %dma_wait3A_293, %dma_wait3A_294] : memref<4x128x128xf32, #tpu.memory_space<vmem>> -> memref<1x128x128xf32, #tpu.memory_space<vmem>>
        %dma_wait3A_296 = tpu.memref_squeeze %dma_wait3A_295 : memref<1x128x128xf32, #tpu.memory_space<vmem>> -> memref<128x128xf32, #tpu.memory_space<vmem>>
        tpu.wait_dma2 semaphore(%dma_wait3A_289 : memref<!tpu.dma_semaphore, #tpu.memory_space<semaphore_mem>>) src(%dma_wait3A_296 : memref<128x128xf32, #tpu.memory_space<vmem>>) dst(%dma_wait3A_292 : memref<128x128xf32, #tpu.memory_space<hbm>>)
      } else {
      }
      %add3A_209 = arith.constant 3 : i32
      %add3A_210 = arith.addi %add3A_169, %add3A_209 : i32
      %lt3A_211 = arith.constant 32 : i32
      %lt3A_212 = arith.cmpi slt, %add3A_210, %lt3A_211 : i32
      %convert_element_type3A_213 = arith.extui %lt3A_212 : i1 to i32
      %cond3A_214 = arith.constant 0 : i32
      %cond3A_215 = arith.cmpi ne, %convert_element_type3A_213, %cond3A_214 : i32
      scf.if %cond3A_215 {
        %add3A_266 = arith.constant 3 : i32
        %add3A_267 = arith.addi %add3A_169, %add3A_266 : i32
        %add3A_268 = arith.constant 3 : i32
        %add3A_269 = arith.addi %add3A_169, %add3A_268 : i32
        %jit3A = arith.constant 4 : i32
        %eq3A = arith.constant 0 : i32
        %eq3A_270 = arith.cmpi eq, %jit3A, %eq3A : i32
        %jit3A_271 = arith.constant 1 : i32
        %select_n3A = arith.select %eq3A_270, %jit3A_271, %jit3A : i32
        %rem3A = arith.remsi %add3A_269, %select_n3A : i32
        %ne3A = arith.constant 0 : i32
        %ne3A_272 = arith.cmpi ne, %rem3A, %ne3A : i32
        %lt3A_273 = arith.constant 0 : i32
        %lt3A_274 = arith.cmpi slt, %rem3A, %lt3A_273 : i32
        %lt3A_275 = arith.constant 0 : i32
        %lt3A_276 = arith.cmpi slt, %select_n3A, %lt3A_275 : i32
        %ne3A_277 = arith.xori %lt3A_274, %lt3A_276 : i1
        %and3A = arith.andi %ne3A_277, %ne3A_272 : i1
        %add3A_278 = arith.addi %rem3A, %select_n3A : i32
        %select_n3A_279 = arith.select %and3A, %add3A_278, %rem3A : i32
        %dma_start3A_280 = arith.constant 0 : i32
        %dma_start3A_281 = arith.constant 0 : i32
        %dma_start3A_282 = tpu.memref_slice %arg6[%select_n3A_279, %dma_start3A_280, %dma_start3A_281] : memref<4x128x128xf32, #tpu.memory_space<vmem>> -> memref<1x128x128xf32, #tpu.memory_space<vmem>>
        %dma_start3A_283 = tpu.memref_squeeze %dma_start3A_282 : memref<1x128x128xf32, #tpu.memory_space<vmem>> -> memref<128x128xf32, #tpu.memory_space<vmem>>
        %dma_start3A_284 = arith.constant 0 : i32
        %dma_start3A_285 = tpu.memref_slice %arg5[%add3A_267, %dma_start3A_284] : memref<32x128xi32, #tpu.memory_space<vmem>> -> memref<1x128xi32, #tpu.memory_space<vmem>>
        %dma_start3A_286 = tpu.memref_squeeze %dma_start3A_285 : memref<1x128xi32, #tpu.memory_space<vmem>> -> memref<128xi32, #tpu.memory_space<vmem>>
        %dma_start3A_287 = arith.constant 0 : i32
        %dma_start3A_288 = arith.constant 0 : i32
        %dma_start3A_289 = tpu.memref_slice %arg2[%dma_start3A_287, %dma_start3A_288] : memref<131072x128xf32, #tpu.memory_space<hbm>> -> memref<131072x128xf32, #tpu.memory_space<hbm>>
        %dma_start3A_290 = tpu.memref_slice %arg7[%select_n3A_279] : memref<4x!tpu.dma_semaphore, #tpu.memory_space<semaphore_mem>> -> memref<1x!tpu.dma_semaphore, #tpu.memory_space<semaphore_mem>>
        %dma_start3A_291 = tpu.memref_squeeze %dma_start3A_290 : memref<1x!tpu.dma_semaphore, #tpu.memory_space<semaphore_mem>> -> memref<!tpu.dma_semaphore, #tpu.memory_space<semaphore_mem>>
        tpu.enqueue_indirect_dma source(%dma_start3A_289 : memref<131072x128xf32, #tpu.memory_space<hbm>>) target(%dma_start3A_283 : memref<128x128xf32, #tpu.memory_space<vmem>>) offsets(%dma_start3A_286 : memref<128xi32, #tpu.memory_space<vmem>>) semaphore(%dma_start3A_291 : memref<!tpu.dma_semaphore, #tpu.memory_space<semaphore_mem>>)
      } else {
      }
      %mul3A_216 = arith.constant 4 : i32
      %mul3A_217 = arith.muli %scan3A_69, %mul3A_216 : i32
      %add3A_218 = arith.constant 3 : i32
      %add3A_219 = arith.addi %mul3A_217, %add3A_218 : i32
      %dma_wait3A_220 = arith.constant 3 : i32
      %dma_wait3A_221 = arith.constant 3 : i32
      %dma_wait3A_222 = arith.constant 0 : i32
      %dma_wait3A_223 = arith.constant 0 : i32
      %dma_wait3A_224 = tpu.memref_slice %arg6[%dma_wait3A_220, %dma_wait3A_222, %dma_wait3A_223] : memref<4x128x128xf32, #tpu.memory_space<vmem>> -> memref<1x128x128xf32, #tpu.memory_space<vmem>>
      %dma_wait3A_225 = tpu.memref_squeeze %dma_wait3A_224 : memref<1x128x128xf32, #tpu.memory_space<vmem>> -> memref<128x128xf32, #tpu.memory_space<vmem>>
      %dma_wait3A_226 = arith.constant 0 : i32
      %dma_wait3A_227 = tpu.memref_slice %arg5[%add3A_219, %dma_wait3A_226] : memref<32x128xi32, #tpu.memory_space<vmem>> -> memref<1x128xi32, #tpu.memory_space<vmem>>
      %dma_wait3A_228 = tpu.memref_squeeze %dma_wait3A_227 : memref<1x128xi32, #tpu.memory_space<vmem>> -> memref<128xi32, #tpu.memory_space<vmem>>
      %dma_wait3A_229 = arith.constant 0 : i32
      %dma_wait3A_230 = arith.constant 0 : i32
      %dma_wait3A_231 = tpu.memref_slice %arg2[%dma_wait3A_229, %dma_wait3A_230] : memref<131072x128xf32, #tpu.memory_space<hbm>> -> memref<131072x128xf32, #tpu.memory_space<hbm>>
      %dma_wait3A_232 = tpu.memref_slice %arg7[%dma_wait3A_221] : memref<4x!tpu.dma_semaphore, #tpu.memory_space<semaphore_mem>> -> memref<1x!tpu.dma_semaphore, #tpu.memory_space<semaphore_mem>>
      %dma_wait3A_233 = tpu.memref_squeeze %dma_wait3A_232 : memref<1x!tpu.dma_semaphore, #tpu.memory_space<semaphore_mem>> -> memref<!tpu.dma_semaphore, #tpu.memory_space<semaphore_mem>>
      tpu.wait_indirect_dma semaphore(%dma_wait3A_233 : memref<!tpu.dma_semaphore, #tpu.memory_space<semaphore_mem>>) src(%dma_wait3A_231 : memref<131072x128xf32, #tpu.memory_space<hbm>>) dst(%dma_wait3A_225 : memref<128x128xf32, #tpu.memory_space<vmem>>)
      %mul3A_234 = arith.constant 128 : i32
      %mul3A_235 = arith.muli %add3A_219, %mul3A_234 : i32
      %dma_start3A_236 = arith.constant 3 : i32
      %dma_start3A_237 = arith.constant 3 : i32
      %dma_start3A_238 = arith.constant 0 : i32
      %dma_start3A_239 = arith.constant 0 : i32
      %dma_start3A_240 = tpu.memref_slice %arg6[%dma_start3A_236, %dma_start3A_238, %dma_start3A_239] : memref<4x128x128xf32, #tpu.memory_space<vmem>> -> memref<1x128x128xf32, #tpu.memory_space<vmem>>
      %dma_start3A_241 = tpu.memref_squeeze %dma_start3A_240 : memref<1x128x128xf32, #tpu.memory_space<vmem>> -> memref<128x128xf32, #tpu.memory_space<vmem>>
      %dma_start3A_242 = arith.constant 0 : i32
      %dma_start3A_243 = tpu.memref_slice %arg4[%add3A, %mul3A_235, %dma_start3A_242] : memref<32x4096x128xf32, #tpu.memory_space<hbm>> -> memref<1x128x128xf32, #tpu.memory_space<hbm>>
      %dma_start3A_244 = tpu.memref_squeeze %dma_start3A_243 : memref<1x128x128xf32, #tpu.memory_space<hbm>> -> memref<128x128xf32, #tpu.memory_space<hbm>>
      %dma_start3A_245 = tpu.memref_slice %arg8[%dma_start3A_237] : memref<4x!tpu.dma_semaphore, #tpu.memory_space<semaphore_mem>> -> memref<1x!tpu.dma_semaphore, #tpu.memory_space<semaphore_mem>>
      %dma_start3A_246 = tpu.memref_squeeze %dma_start3A_245 : memref<1x!tpu.dma_semaphore, #tpu.memory_space<semaphore_mem>> -> memref<!tpu.dma_semaphore, #tpu.memory_space<semaphore_mem>>
      %dma_start3A_247 = arith.constant 0 : i32
      %dma_start3A_248 = tpu.memref_slice %arg4[%add3A, %mul3A_235, %dma_start3A_247] : memref<32x4096x128xf32, #tpu.memory_space<hbm>> -> memref<1x128x128xf32, #tpu.memory_space<hbm>>
      %dma_start3A_249 = tpu.memref_squeeze %dma_start3A_248 : memref<1x128x128xf32, #tpu.memory_space<hbm>> -> memref<128x128xf32, #tpu.memory_space<hbm>>
      %dma_start3A_250 = arith.constant 0 : i32
      %dma_start3A_251 = arith.constant 0 : i32
      %dma_start3A_252 = tpu.memref_slice %arg6[%dma_start3A_236, %dma_start3A_250, %dma_start3A_251] : memref<4x128x128xf32, #tpu.memory_space<vmem>> -> memref<1x128x128xf32, #tpu.memory_space<vmem>>
      %dma_start3A_253 = tpu.memref_squeeze %dma_start3A_252 : memref<1x128x128xf32, #tpu.memory_space<vmem>> -> memref<128x128xf32, #tpu.memory_space<vmem>>
      tpu.enqueue_dma source(%dma_start3A_253 : memref<128x128xf32, #tpu.memory_space<vmem>>) target(%dma_start3A_249 : memref<128x128xf32, #tpu.memory_space<hbm>>) target_semaphore(%dma_start3A_246 : memref<!tpu.dma_semaphore, #tpu.memory_space<semaphore_mem>>)
      %ge3A_254 = arith.constant 1 : i32
      %ge3A_255 = arith.cmpi sge, %add3A_219, %ge3A_254 : i32
      %convert_element_type3A_256 = arith.extui %ge3A_255 : i1 to i32
      %cond3A_257 = arith.constant 0 : i32
      %cond3A_258 = arith.cmpi ne, %convert_element_type3A_256, %cond3A_257 : i32
      scf.if %cond3A_258 {
        %sub3A = arith.constant 1 : i32
        %sub3A_266 = arith.subi %add3A_219, %sub3A : i32
        %sub3A_267 = arith.constant 1 : i32
        %sub3A_268 = arith.subi %add3A_219, %sub3A_267 : i32
        %jit3A = arith.constant 4 : i32
        %eq3A = arith.constant 0 : i32
        %eq3A_269 = arith.cmpi eq, %jit3A, %eq3A : i32
        %jit3A_270 = arith.constant 1 : i32
        %select_n3A = arith.select %eq3A_269, %jit3A_270, %jit3A : i32
        %rem3A = arith.remsi %sub3A_268, %select_n3A : i32
        %ne3A = arith.constant 0 : i32
        %ne3A_271 = arith.cmpi ne, %rem3A, %ne3A : i32
        %lt3A_272 = arith.constant 0 : i32
        %lt3A_273 = arith.cmpi slt, %rem3A, %lt3A_272 : i32
        %lt3A_274 = arith.constant 0 : i32
        %lt3A_275 = arith.cmpi slt, %select_n3A, %lt3A_274 : i32
        %ne3A_276 = arith.xori %lt3A_273, %lt3A_275 : i1
        %and3A = arith.andi %ne3A_276, %ne3A_271 : i1
        %add3A_277 = arith.addi %rem3A, %select_n3A : i32
        %select_n3A_278 = arith.select %and3A, %add3A_277, %rem3A : i32
        %mul3A_279 = arith.constant 128 : i32
        %mul3A_280 = arith.muli %sub3A_266, %mul3A_279 : i32
        %dma_wait3A_281 = arith.constant 0 : i32
        %dma_wait3A_282 = arith.constant 0 : i32
        %dma_wait3A_283 = tpu.memref_slice %arg6[%select_n3A_278, %dma_wait3A_281, %dma_wait3A_282] : memref<4x128x128xf32, #tpu.memory_space<vmem>> -> memref<1x128x128xf32, #tpu.memory_space<vmem>>
        %dma_wait3A_284 = tpu.memref_squeeze %dma_wait3A_283 : memref<1x128x128xf32, #tpu.memory_space<vmem>> -> memref<128x128xf32, #tpu.memory_space<vmem>>
        %dma_wait3A_285 = arith.constant 0 : i32
        %dma_wait3A_286 = tpu.memref_slice %arg4[%add3A, %mul3A_280, %dma_wait3A_285] : memref<32x4096x128xf32, #tpu.memory_space<hbm>> -> memref<1x128x128xf32, #tpu.memory_space<hbm>>
        %dma_wait3A_287 = tpu.memref_squeeze %dma_wait3A_286 : memref<1x128x128xf32, #tpu.memory_space<hbm>> -> memref<128x128xf32, #tpu.memory_space<hbm>>
        %dma_wait3A_288 = tpu.memref_slice %arg8[%select_n3A_278] : memref<4x!tpu.dma_semaphore, #tpu.memory_space<semaphore_mem>> -> memref<1x!tpu.dma_semaphore, #tpu.memory_space<semaphore_mem>>
        %dma_wait3A_289 = tpu.memref_squeeze %dma_wait3A_288 : memref<1x!tpu.dma_semaphore, #tpu.memory_space<semaphore_mem>> -> memref<!tpu.dma_semaphore, #tpu.memory_space<semaphore_mem>>
        %dma_wait3A_290 = arith.constant 0 : i32
        %dma_wait3A_291 = tpu.memref_slice %arg4[%add3A, %mul3A_280, %dma_wait3A_290] : memref<32x4096x128xf32, #tpu.memory_space<hbm>> -> memref<1x128x128xf32, #tpu.memory_space<hbm>>
        %dma_wait3A_292 = tpu.memref_squeeze %dma_wait3A_291 : memref<1x128x128xf32, #tpu.memory_space<hbm>> -> memref<128x128xf32, #tpu.memory_space<hbm>>
        %dma_wait3A_293 = arith.constant 0 : i32
        %dma_wait3A_294 = arith.constant 0 : i32
        %dma_wait3A_295 = tpu.memref_slice %arg6[%select_n3A_278, %dma_wait3A_293, %dma_wait3A_294] : memref<4x128x128xf32, #tpu.memory_space<vmem>> -> memref<1x128x128xf32, #tpu.memory_space<vmem>>
        %dma_wait3A_296 = tpu.memref_squeeze %dma_wait3A_295 : memref<1x128x128xf32, #tpu.memory_space<vmem>> -> memref<128x128xf32, #tpu.memory_space<vmem>>
        tpu.wait_dma2 semaphore(%dma_wait3A_289 : memref<!tpu.dma_semaphore, #tpu.memory_space<semaphore_mem>>) src(%dma_wait3A_296 : memref<128x128xf32, #tpu.memory_space<vmem>>) dst(%dma_wait3A_292 : memref<128x128xf32, #tpu.memory_space<hbm>>)
      } else {
      }
      %add3A_259 = arith.constant 3 : i32
      %add3A_260 = arith.addi %add3A_219, %add3A_259 : i32
      %lt3A_261 = arith.constant 32 : i32
      %lt3A_262 = arith.cmpi slt, %add3A_260, %lt3A_261 : i32
      %convert_element_type3A_263 = arith.extui %lt3A_262 : i1 to i32
      %cond3A_264 = arith.constant 0 : i32
      %cond3A_265 = arith.cmpi ne, %convert_element_type3A_263, %cond3A_264 : i32
      scf.if %cond3A_265 {
        %add3A_266 = arith.constant 3 : i32
        %add3A_267 = arith.addi %add3A_219, %add3A_266 : i32
        %add3A_268 = arith.constant 3 : i32
        %add3A_269 = arith.addi %add3A_219, %add3A_268 : i32
        %jit3A = arith.constant 4 : i32
        %eq3A = arith.constant 0 : i32
        %eq3A_270 = arith.cmpi eq, %jit3A, %eq3A : i32
        %jit3A_271 = arith.constant 1 : i32
        %select_n3A = arith.select %eq3A_270, %jit3A_271, %jit3A : i32
        %rem3A = arith.remsi %add3A_269, %select_n3A : i32
        %ne3A = arith.constant 0 : i32
        %ne3A_272 = arith.cmpi ne, %rem3A, %ne3A : i32
        %lt3A_273 = arith.constant 0 : i32
        %lt3A_274 = arith.cmpi slt, %rem3A, %lt3A_273 : i32
        %lt3A_275 = arith.constant 0 : i32
        %lt3A_276 = arith.cmpi slt, %select_n3A, %lt3A_275 : i32
        %ne3A_277 = arith.xori %lt3A_274, %lt3A_276 : i1
        %and3A = arith.andi %ne3A_277, %ne3A_272 : i1
        %add3A_278 = arith.addi %rem3A, %select_n3A : i32
        %select_n3A_279 = arith.select %and3A, %add3A_278, %rem3A : i32
        %dma_start3A_280 = arith.constant 0 : i32
        %dma_start3A_281 = arith.constant 0 : i32
        %dma_start3A_282 = tpu.memref_slice %arg6[%select_n3A_279, %dma_start3A_280, %dma_start3A_281] : memref<4x128x128xf32, #tpu.memory_space<vmem>> -> memref<1x128x128xf32, #tpu.memory_space<vmem>>
        %dma_start3A_283 = tpu.memref_squeeze %dma_start3A_282 : memref<1x128x128xf32, #tpu.memory_space<vmem>> -> memref<128x128xf32, #tpu.memory_space<vmem>>
        %dma_start3A_284 = arith.constant 0 : i32
        %dma_start3A_285 = tpu.memref_slice %arg5[%add3A_267, %dma_start3A_284] : memref<32x128xi32, #tpu.memory_space<vmem>> -> memref<1x128xi32, #tpu.memory_space<vmem>>
        %dma_start3A_286 = tpu.memref_squeeze %dma_start3A_285 : memref<1x128xi32, #tpu.memory_space<vmem>> -> memref<128xi32, #tpu.memory_space<vmem>>
        %dma_start3A_287 = arith.constant 0 : i32
        %dma_start3A_288 = arith.constant 0 : i32
        %dma_start3A_289 = tpu.memref_slice %arg2[%dma_start3A_287, %dma_start3A_288] : memref<131072x128xf32, #tpu.memory_space<hbm>> -> memref<131072x128xf32, #tpu.memory_space<hbm>>
        %dma_start3A_290 = tpu.memref_slice %arg7[%select_n3A_279] : memref<4x!tpu.dma_semaphore, #tpu.memory_space<semaphore_mem>> -> memref<1x!tpu.dma_semaphore, #tpu.memory_space<semaphore_mem>>
        %dma_start3A_291 = tpu.memref_squeeze %dma_start3A_290 : memref<1x!tpu.dma_semaphore, #tpu.memory_space<semaphore_mem>> -> memref<!tpu.dma_semaphore, #tpu.memory_space<semaphore_mem>>
        tpu.enqueue_indirect_dma source(%dma_start3A_289 : memref<131072x128xf32, #tpu.memory_space<hbm>>) target(%dma_start3A_283 : memref<128x128xf32, #tpu.memory_space<vmem>>) offsets(%dma_start3A_286 : memref<128xi32, #tpu.memory_space<vmem>>) semaphore(%dma_start3A_291 : memref<!tpu.dma_semaphore, #tpu.memory_space<semaphore_mem>>)
      } else {
      }
    }
    %scan3A_49 = arith.constant 8 : i32
    %dma_wait3A = arith.constant 3 : i32
    %dma_wait3A_50 = arith.constant 3 : i32
    %dma_wait3A_51 = arith.constant 0 : i32
    %dma_wait3A_52 = arith.constant 0 : i32
    %dma_wait3A_53 = tpu.memref_slice %arg6[%dma_wait3A, %dma_wait3A_51, %dma_wait3A_52] : memref<4x128x128xf32, #tpu.memory_space<vmem>> -> memref<1x128x128xf32, #tpu.memory_space<vmem>>
    %dma_wait3A_54 = tpu.memref_squeeze %dma_wait3A_53 : memref<1x128x128xf32, #tpu.memory_space<vmem>> -> memref<128x128xf32, #tpu.memory_space<vmem>>
    %dma_wait3A_55 = arith.constant 3968 : i32
    %dma_wait3A_56 = arith.constant 0 : i32
    %dma_wait3A_57 = tpu.memref_slice %arg4[%add3A, %dma_wait3A_55, %dma_wait3A_56] : memref<32x4096x128xf32, #tpu.memory_space<hbm>> -> memref<1x128x128xf32, #tpu.memory_space<hbm>>
    %dma_wait3A_58 = tpu.memref_squeeze %dma_wait3A_57 : memref<1x128x128xf32, #tpu.memory_space<hbm>> -> memref<128x128xf32, #tpu.memory_space<hbm>>
    %dma_wait3A_59 = tpu.memref_slice %arg8[%dma_wait3A_50] : memref<4x!tpu.dma_semaphore, #tpu.memory_space<semaphore_mem>> -> memref<1x!tpu.dma_semaphore, #tpu.memory_space<semaphore_mem>>
    %dma_wait3A_60 = tpu.memref_squeeze %dma_wait3A_59 : memref<1x!tpu.dma_semaphore, #tpu.memory_space<semaphore_mem>> -> memref<!tpu.dma_semaphore, #tpu.memory_space<semaphore_mem>>
    %dma_wait3A_61 = arith.constant 3968 : i32
    %dma_wait3A_62 = arith.constant 0 : i32
    %dma_wait3A_63 = tpu.memref_slice %arg4[%add3A, %dma_wait3A_61, %dma_wait3A_62] : memref<32x4096x128xf32, #tpu.memory_space<hbm>> -> memref<1x128x128xf32, #tpu.memory_space<hbm>>
    %dma_wait3A_64 = tpu.memref_squeeze %dma_wait3A_63 : memref<1x128x128xf32, #tpu.memory_space<hbm>> -> memref<128x128xf32, #tpu.memory_space<hbm>>
    %dma_wait3A_65 = arith.constant 0 : i32
    %dma_wait3A_66 = arith.constant 0 : i32
    %dma_wait3A_67 = tpu.memref_slice %arg6[%dma_wait3A, %dma_wait3A_65, %dma_wait3A_66] : memref<4x128x128xf32, #tpu.memory_space<vmem>> -> memref<1x128x128xf32, #tpu.memory_space<vmem>>
    %dma_wait3A_68 = tpu.memref_squeeze %dma_wait3A_67 : memref<1x128x128xf32, #tpu.memory_space<vmem>> -> memref<128x128xf32, #tpu.memory_space<vmem>>
    tpu.wait_dma2 semaphore(%dma_wait3A_60 : memref<!tpu.dma_semaphore, #tpu.memory_space<semaphore_mem>>) src(%dma_wait3A_68 : memref<128x128xf32, #tpu.memory_space<vmem>>) dst(%dma_wait3A_64 : memref<128x128xf32, #tpu.memory_space<hbm>>)
    return
  }
}

module attributes {stable_mosaic.version = 14 : i64} {
  func.func @_transpose_body(%arg0: i32, %arg1: memref<4x4096x128xf32, #tpu.memory_space<vmem>>, %arg2: memref<4x128x4096xf32, #tpu.memory_space<vmem>>) attributes {dimension_semantics = [#tpu.dimension_semantics<arbitrary>], iteration_bounds = array<i64: 8>, scalar_prefetch = 0 : i64, scratch_operands = 0 : i64, tpu.core_type = #tpu.core_type<tc>, window_params = [{transform_indices = @transform_0, window_bounds = array<i64: 4, 4096, 128>}, {transform_indices = @transform_1, window_bounds = array<i64: 4, 128, 4096>}]} {
    %iota3A = tpu.iota {dimensions = array<i32: 0>} : vector<128x128xi32>
    %iota3A_0 = tpu.iota {dimensions = array<i32: 1>} : vector<128x128xi32>
    %eq3A = arith.cmpi eq, %iota3A, %iota3A_0 : vector<128x128xi32>
    %convert_element_type3A = arith.extui %eq3A : vector<128x128xi1> to vector<128x128xi32>
    %convert_element_type3A_1 = arith.sitofp %convert_element_type3A : vector<128x128xi32> to vector<128x128xf32>
    %get3A = arith.constant 0 : index
    %get3A_2 = arith.constant 0 : index
    %get3A_3 = arith.constant 0 : index
    %get3A_4 = vector.load %arg1[%get3A, %get3A_2, %get3A_3] : memref<4x4096x128xf32, #tpu.memory_space<vmem>>, vector<1x4096x128xf32>
    %get3A_5 = vector.shape_cast %get3A_4 : vector<1x4096x128xf32> to vector<4096x128xf32>
    %dot_general3A = arith.constant dense<0.000000e+00> : vector<128x4096xf32>
    %dot_general3A_6 = tpu.matmul %convert_element_type3A_1, %get3A_5, %dot_general3A {dimension_numbers = #tpu.dot_dimension_numbers<[1], [1], [0], [0], [0, 0, 1, 0], [], []>, transpose_lhs_hint = false} : vector<128x128xf32>, vector<4096x128xf32>, vector<128x4096xf32> -> vector<128x4096xf32>
    %swap3A = arith.constant 0 : index
    %swap3A_7 = arith.constant 0 : index
    %swap3A_8 = arith.constant 0 : index
    %swap3A_9 = vector.load %arg2[%swap3A, %swap3A_7, %swap3A_8] : memref<4x128x4096xf32, #tpu.memory_space<vmem>>, vector<1x128x4096xf32>
    %swap3A_10 = vector.shape_cast %swap3A_9 : vector<1x128x4096xf32> to vector<128x4096xf32>
    %swap3A_11 = vector.shape_cast %dot_general3A_6 : vector<128x4096xf32> to vector<1x128x4096xf32>
    tpu.vector_store %arg2[%swap3A, %swap3A_7, %swap3A_8], %swap3A_11 {strides = array<i32>} : memref<4x128x4096xf32, #tpu.memory_space<vmem>>, vector<1x128x4096xf32>,
    %get3A_12 = arith.constant 1 : index
    %get3A_13 = arith.constant 0 : index
    %get3A_14 = arith.constant 0 : index
    %get3A_15 = vector.load %arg1[%get3A_12, %get3A_13, %get3A_14] : memref<4x4096x128xf32, #tpu.memory_space<vmem>>, vector<1x4096x128xf32>
    %get3A_16 = vector.shape_cast %get3A_15 : vector<1x4096x128xf32> to vector<4096x128xf32>
    %dot_general3A_17 = arith.constant dense<0.000000e+00> : vector<128x4096xf32>
    %dot_general3A_18 = tpu.matmul %convert_element_type3A_1, %get3A_16, %dot_general3A_17 {dimension_numbers = #tpu.dot_dimension_numbers<[1], [1], [0], [0], [0, 0, 1, 0], [], []>, transpose_lhs_hint = false} : vector<128x128xf32>, vector<4096x128xf32>, vector<128x4096xf32> -> vector<128x4096xf32>
    %swap3A_19 = arith.constant 1 : index
    %swap3A_20 = arith.constant 0 : index
    %swap3A_21 = arith.constant 0 : index
    %swap3A_22 = vector.load %arg2[%swap3A_19, %swap3A_20, %swap3A_21] : memref<4x128x4096xf32, #tpu.memory_space<vmem>>, vector<1x128x4096xf32>
    %swap3A_23 = vector.shape_cast %swap3A_22 : vector<1x128x4096xf32> to vector<128x4096xf32>
    %swap3A_24 = vector.shape_cast %dot_general3A_18 : vector<128x4096xf32> to vector<1x128x4096xf32>
    tpu.vector_store %arg2[%swap3A_19, %swap3A_20, %swap3A_21], %swap3A_24 {strides = array<i32>} : memref<4x128x4096xf32, #tpu.memory_space<vmem>>, vector<1x128x4096xf32>,
    %get3A_25 = arith.constant 2 : index
    %get3A_26 = arith.constant 0 : index
    %get3A_27 = arith.constant 0 : index
    %get3A_28 = vector.load %arg1[%get3A_25, %get3A_26, %get3A_27] : memref<4x4096x128xf32, #tpu.memory_space<vmem>>, vector<1x4096x128xf32>
    %get3A_29 = vector.shape_cast %get3A_28 : vector<1x4096x128xf32> to vector<4096x128xf32>
    %dot_general3A_30 = arith.constant dense<0.000000e+00> : vector<128x4096xf32>
    %dot_general3A_31 = tpu.matmul %convert_element_type3A_1, %get3A_29, %dot_general3A_30 {dimension_numbers = #tpu.dot_dimension_numbers<[1], [1], [0], [0], [0, 0, 1, 0], [], []>, transpose_lhs_hint = false} : vector<128x128xf32>, vector<4096x128xf32>, vector<128x4096xf32> -> vector<128x4096xf32>
    %swap3A_32 = arith.constant 2 : index
    %swap3A_33 = arith.constant 0 : index
    %swap3A_34 = arith.constant 0 : index
    %swap3A_35 = vector.load %arg2[%swap3A_32, %swap3A_33, %swap3A_34] : memref<4x128x4096xf32, #tpu.memory_space<vmem>>, vector<1x128x4096xf32>
    %swap3A_36 = vector.shape_cast %swap3A_35 : vector<1x128x4096xf32> to vector<128x4096xf32>
    %swap3A_37 = vector.shape_cast %dot_general3A_31 : vector<128x4096xf32> to vector<1x128x4096xf32>
    tpu.vector_store %arg2[%swap3A_32, %swap3A_33, %swap3A_34], %swap3A_37 {strides = array<i32>} : memref<4x128x4096xf32, #tpu.memory_space<vmem>>, vector<1x128x4096xf32>,
    %get3A_38 = arith.constant 3 : index
    %get3A_39 = arith.constant 0 : index
    %get3A_40 = arith.constant 0 : index
    %get3A_41 = vector.load %arg1[%get3A_38, %get3A_39, %get3A_40] : memref<4x4096x128xf32, #tpu.memory_space<vmem>>, vector<1x4096x128xf32>
    %get3A_42 = vector.shape_cast %get3A_41 : vector<1x4096x128xf32> to vector<4096x128xf32>
    %dot_general3A_43 = arith.constant dense<0.000000e+00> : vector<128x4096xf32>
    %dot_general3A_44 = tpu.matmul %convert_element_type3A_1, %get3A_42, %dot_general3A_43 {dimension_numbers = #tpu.dot_dimension_numbers<[1], [1], [0], [0], [0, 0, 1, 0], [], []>, transpose_lhs_hint = false} : vector<128x128xf32>, vector<4096x128xf32>, vector<128x4096xf32> -> vector<128x4096xf32>
    %swap3A_45 = arith.constant 3 : index
    %swap3A_46 = arith.constant 0 : index
    %swap3A_47 = arith.constant 0 : index
    %swap3A_48 = vector.load %arg2[%swap3A_45, %swap3A_46, %swap3A_47] : memref<4x128x4096xf32, #tpu.memory_space<vmem>>, vector<1x128x4096xf32>
    %swap3A_49 = vector.shape_cast %swap3A_48 : vector<1x128x4096xf32> to vector<128x4096xf32>
    %swap3A_50 = vector.shape_cast %dot_general3A_44 : vector<128x4096xf32> to vector<1x128x4096xf32>
    tpu.vector_store %arg2[%swap3A_45, %swap3A_46, %swap3A_47], %swap3A_50 {strides = array<i32>} : memref<4x128x4096xf32, #tpu.memory_space<vmem>>, vector<1x128x4096xf32>,
    return
  }
  func.func @transform_0(%arg0: i32) -> (i32, i32, i32) {
    %c0_i32 = arith.constant 0 : i32
    %c0_i32_0 = arith.constant 0 : i32
    %c0_i32_1 = arith.constant 0 : i32
    return %arg0, %c0_i32, %c0_i32_0 : i32, i32, i32
  }
  func.func @transform_1(%arg0: i32) -> (i32, i32, i32) {
    %c0_i32 = arith.constant 0 : i32
    %c0_i32_0 = arith.constant 0 : i32
    %c0_i32_1 = arith.constant 0 : i32
    return %arg0, %c0_i32, %c0_i32_0 : i32, i32, i32
  }
}

</mosaic_0001>

<sc_bundles>
// kernel: _run.4.cloned.1.call-start
scs
__scs_entry_jumppad:
0x0: {  	(pc) =	sbr.rel $0x88, $3  }
0x1: {  	(tag) =	ssettag $0x0;
	lr =	simm.s32 $0x1  }
0x2: {  	[smem:$0x3F9F] =	sst lr;
	_ =	strace $0xD0000000  }
0x3: {  	_ = 	snop  }
0x4: {  	_ = 	snop  }
0x5: {  	_ = 	snop  }
0x6: {  	_ = 	snop  }
0x7: {  	_ = 	snop  }
__scs_overlays_trampoline_lowered:
0x8: {  	[smem:$0x3FAE] =	sst s0  }
0x9: {  	[smem:$0x3FAF] =	sst s1  }
0xa: {  	[smem:$0x3FB0] =	sst s2  }
0xb: {  	[smem:$0x3FB1] =	sst s3  }
0xc: {  	[smem:$0x3FB2] =	sst s4  }
0xd: {  	[smem:$0x3FB3] =	sst s5  }
0xe: {  	[smem:$0x3FB4] =	sst s6  }
0xf: {  	[smem:$0x3FB5] =	sst s7  }
0x10: {  	[smem:$0x3FB6] =	sst s8  }
0x11: {  	[smem:$0x3FB7] =	sst s9;
	s0 =	simm.s32 @!p0 $0x0  }
0x12: {  	s1 =	sld [smem:$0x3F9D];
	s0 =	simm.s32 @p0 $0x1  }
0x13: {  	[smem:$0x3FB8] =	sst s0;
	s0 =	simm.s32 @!p1 $0x0  }
0x14: {  	s2 =	sld [smem:$0x3F9C];
	s0 =	simm.s32 @p1 $0x1  }
0x15: {  	[smem:$0x3FB9] =	sst s0;
	s0 =	simm.s32 @!p2 $0x0  }
0x16: {  	s3 =	sld [smem:$0x3FDB];
	s0 =	simm.s32 @p2 $0x1  }
0x17: {  	s4 =	simm.s32 $0x1BF5;
	[smem:$0x3FBB] =	sst s0  }
0x18: {  	s0 =	sld [smem:$0x3F9E];
	_ =	swait.ge [sflag:s4], $0x0  }
0x19: {  	s7 =	sld [smem:$0x3F9F]  }
0x1a: {  	s8 =	sadd.s32 $0xFFFFE003, lr  }
0x1b: {  	s9 =	sadd.s32 $0xFFFFFEF7, lr;
	s5 =	simm.s32 $0xFFFFFFFF;
	p2 =	slt.u32 s8, $0xFFFFF086  }
0x1c: {  	p1 =	slt.u32 s9, $0xF7A;
	s5 =	simm.s32 @!p2 $0x0  }
0x1d: {  	s5 =	simm.s32 @p1 $0x1;
	p0 =	seq.s32 s7, s2  }
0x1e: {  	s7 =	smul.u32 @!p0 $0xF7A, s2;
	p2 =	seq.s32 @!p0 s5, $0x0  }
0x1f: {  	s9 =	smul.u32 $0xF7A, s1;
	s8 =	simm.s32 @!p0 $0x1BF5;
	p2 =	por !p2, p0  }
0x20: {  	[sflag:s8] =	ssyncset.s32 @!p0 $0xFFFFF086;
	s6 =	sadd.s32 @!p0 s3, s7;
	s7 =	simm.s32 @!p0 $0x108  }
0x21: {  	s3 =	sadd.s32 s3, s9;
	s6 =	sadd.s32 @!p0 $0x88, s6;
	s7 =	simm.s32 @p2 $0x1082  }
0x22: {  	[simem:s7], [sflag:s8] =	dma.local @!p0 [hbm:s6], $0xF7A  }
0x23: {  	s9 =	sor.u32 $0xD0000000, s2;
	s6 =	simm.s32 $0x108;
	_ =	swait.ge @!p0 [sflag:s8], $0x0  }
0x24: {  	s3 =	sadd.s32 $0x88, s3;
	s6 =	simm.s32 @!p1 $0x1082;
	[sflag:s4] =	ssyncset.s32 $0xFFFFF086  }
0x25: {  	[simem:s6], [sflag:s4] =	dma.local [hbm:s3], $0xF7A  }
0x26: {  	[smem:$0x3F9F] =	sst s1;
	(tag) =	ssettag s2;
	_ =	strace s9  }
0x27: {  	s1 =	sld [smem:$0x3FAF]  }
0x28: {  	s2 =	sld [smem:$0x3FB0]  }
0x29: {  	s4 =	sld [smem:$0x3FB2]  }
0x2a: {  	p0 =	seq.s32 s5, $0x0;
	s5 =	sld [smem:$0x3FB3]  }
0x2b: {  	s6 =	sld [smem:$0x3FB4]  }
0x2c: {  	s7 =	sld [smem:$0x3FB5]  }
0x2d: {  	s3 =	simm.s32 $0x108;
	s8 =	sld [smem:$0x3FB6]  }
0x2e: {  	s3 =	simm.s32 @!p0 $0x1082;
	s9 =	sld [smem:$0x3FB7]  }
0x2f: {  	lr =	sadd.s32 s0, s3;
	s0 =	sld [smem:$0x3FAE]  }
0x30: {  	s3 =	sld [smem:$0x3FB1]  }
0x31: {  	[smem:$0x3FBA] =	sst s10  }
0x32: {  	s10 =	sld [smem:$0x3FB8];
	_ =	sdelay $0x3  }
0x33: {  	p0 =	seq.s32 s10, $0x1;
	s10 =	sld [smem:$0x3FBA];
	_ =	sdelay $0x3  }
0x34: {  	[smem:$0x3FBA] =	sst s10  }
0x35: {  	s10 =	sld [smem:$0x3FB9];
	_ =	sdelay $0x3  }
0x36: {  	p1 =	seq.s32 s10, $0x1;
	s10 =	sld [smem:$0x3FBA];
	_ =	sdelay $0x3  }
0x37: {  	[smem:$0x3FBA] =	sst s10  }
0x38: {  	s10 =	sld [smem:$0x3FBB]  }
0x39: {  	_ = 	snop;
	(pc) =	sbr.ind lr, $3  }
0x3a: {  	_ = 	snop  }
0x3b: {  	_ = 	snop  }
0x3c: {  	p2 =	seq.s32 s10, $0x1;
	s10 =	sld [smem:$0x3FBA]  }
0x3d: {  	_ =	shalt  }
0x3e: {  	_ =	shalt  }
0x3f: {  	_ =	shalt  }
0x40: {  	_ =	shalt  }
0x41: {  	_ =	shalt  }
0x42: {  	_ =	shalt  }
0x43: {  	_ =	shalt  }
0x44: {  	_ =	shalt  }
0x45: {  	_ =	shalt  }
0x46: {  	_ =	shalt  }
0x47: {  	_ =	shalt  }
0x48: {  	_ =	shalt  }
0x49: {  	_ =	shalt  }
0x4a: {  	_ =	shalt  }
0x4b: {  	_ =	shalt  }
0x4c: {  	_ =	shalt  }
0x4d: {  	_ =	shalt  }
0x4e: {  	_ =	shalt  }
0x4f: {  	_ =	shalt  }
0x50: {  	_ =	shalt  }
0x51: {  	_ =	shalt  }
0x52: {  	_ =	shalt  }
0x53: {  	_ =	shalt  }
0x54: {  	_ =	shalt  }
0x55: {  	_ =	shalt  }
0x56: {  	_ =	shalt  }
0x57: {  	_ =	shalt  }
0x58: {  	_ =	shalt  }
0x59: {  	_ =	shalt  }
0x5a: {  	_ =	shalt  }
0x5b: {  	_ =	shalt  }
0x5c: {  	_ =	shalt  }
0x5d: {  	_ =	shalt  }
0x5e: {  	_ =	shalt  }
0x5f: {  	_ =	shalt  }
0x60: {  	_ =	shalt  }
0x61: {  	_ =	shalt  }
0x62: {  	_ =	shalt  }
0x63: {  	_ =	shalt  }
0x64: {  	_ =	shalt  }
0x65: {  	_ =	shalt  }
0x66: {  	_ =	shalt  }
0x67: {  	_ =	shalt  }
0x68: {  	_ =	shalt  }
0x69: {  	_ =	shalt  }
0x6a: {  	_ =	shalt  }
0x6b: {  	_ =	shalt  }
0x6c: {  	_ =	shalt  }
0x6d: {  	_ =	shalt  }
0x6e: {  	_ =	shalt  }
0x6f: {  	_ =	shalt  }
0x70: {  	_ =	shalt  }
0x71: {  	_ =	shalt  }
0x72: {  	_ =	shalt  }
0x73: {  	_ =	shalt  }
0x74: {  	_ =	shalt  }
0x75: {  	_ =	shalt  }
0x76: {  	_ =	shalt  }
0x77: {  	_ =	shalt  }
0x78: {  	_ =	shalt  }
0x79: {  	_ =	shalt  }
0x7a: {  	_ =	shalt  }
0x7b: {  	_ =	shalt  }
0x7c: {  	_ =	shalt  }
0x7d: {  	_ =	shalt  }
0x7e: {  	_ =	shalt  }
0x7f: {  	_ =	shalt  }
0x80: {  	_ =	shalt  }
0x81: {  	_ =	shalt  }
0x82: {  	_ =	shalt  }
0x83: {  	_ =	shalt  }
0x84: {  	_ =	shalt  }
0x85: {  	_ =	shalt  }
0x86: {  	_ =	shalt  }
0x87: {  	_ =	shalt  }
.Lfunc_end0:
.L_simem_size_0:
called_computation_lowered:
.L_overlay_start_0:
0x88: {  	s2 =	sld [smem:$0x3FD9]  }
0x89: {  	s3 =	sld [smem:$0x3FFE];
	_ =	sdelay $0x1  }
0x8a: {  	s1 =	srdreg.scid  }
0x8b: {  	s0 =	sand.u32 $0x1, s1  }
0x8c: {  	s17 =	sshll.u32 s0, $0xA;
	s2 =	sadd.s32 s3, s2  }
0x8d: {  	s2 =	sadd.s32 s2, s17  }
0x8e: {  	[smem:$0x3FC6] =	sst s2  }
0x8f: {  	_ = 	snop  }
0x90: {  	s2 =	sld [smem:$0x3FC9]  }
0x91: {  	s18 =	sld [smem:$0x3FC8];
	(tm) =	ssettm $0x1  }
0x92: {  	s4 =	sld [smem:$0x3FFB];
	_ =	sdelay $0x3  }
0x93: {  	_ =	strace s4  }
0x94: {  	s4 =	sld [smem:$0x3FFC];
	_ =	sdelay $0x3  }
0x95: {  	_ =	strace s4  }
0x96: {  	s4 =	sld [smem:$0x3FFD];
	_ =	sdelay $0x3  }
0x97: {  	_ =	strace s4  }
0x98: {  	_ =	strace $0x8FFFFFFF  }
0x99: {  	s19 =	sld [smem:$0x3FDB];
	_ =	sdelay $0x1  }
0x9a: {  	s5 =	simm.s32 $_scs_section_size  }
0x9b: {  	s6 =	simm.s32 $_size__tile_overlayer_lowered;
	s7 =	simm.s32 $_tile_overlayer_lowered  }
0x9c: {  	s22 =	simm.s32 $0x1BFF;
	s21 =	sshll.u32 s7, $0x1;
	s4 =	sadd.s32 s5, s19  }
0x9d: {  	s8 =	simm.s32 $0x0;
	s20 =	sshll.u32 s6, $0x1;
	s6 =	sadd.s32 s21, s4  }
0x9e: {  	[timem:s8], [sflag:s22] =	dma.local [hbm:s6], s20  }
0x9f: {  	_ =	swait.ge [sflag:s22], s20  }
0xa0: {  	s5 =	ssub.s32 $0x0, s20;
	[sflag:s22] =	ssyncset.done $0x0  }
0xa1: {  	[sflag:s22] =	ssyncadd.s32 s5;
	_ =	sdelay $0x1  }
0xa2: {  	s23 =	simm.s32 $0x1B8B  }
0xa3: {  	_ =	swait.ge [sflag:s23], $0x1  }
0xa4: {  	[sflag:s23] =	ssyncset.done $0x0  }
0xa5: {  	s25 =	simm.s32 $0x1B8E;
	s24 =	sld [smem:$0x3FFE];
	[sflag:s23] =	ssyncadd.s32 $0xFFFFFFFF  }
0xa6: {  	s26 =	simm.s32 $execute0_lowered;
	[smem:$0x3FD2] =	sst s25  }
0xa7: {  	s6 =	sshll.u32 s26, $0x1;
	_ =	strace $0x80000046;
	[dreg:$0x1] =	wrdreg $0xFFFFFFFF  }
0xa8: {  	s28 =	simm.s32 $_size_execute0_lowered;
	s4 =	sadd.s32 s4, s6;
	[dreg:$0x0] =	wrdreg $0x0  }
0xa9: {  	s6 =	sshll.u32 s28, $0x1;
	[dreg:$0x2] =	wrdreg s4  }
0xaa: {  	[dreg:$0x3] =	wrdreg s6  }
0xab: {  	[dreg:$0x4] =	wrdreg $0xC0  }
0xac: {  	_ =	task [dreg:s8], $0x5FFFF  }
0xad: {  	[dreg:$0x1] =	wrdreg $0xFFFFFFFF  }
0xae: {  	[dreg:$0x0] =	wrdreg $0x60  }
0xaf: {  	[dreg:$0x2] =	wrdreg s2  }
0xb0: {  	[dreg:$0x3] =	wrdreg s18  }
0xb1: {  	[dreg:$0x4] =	wrdreg s24  }
0xb2: {  	[dreg:$0x5] =	wrdreg $0x9  }
0xb3: {  	_ =	task.clear_ibuf [dreg:s8], $0x6FFFF;
	_ =	strace $0x90000046  }
0xb4: {  	s29 =	simm.s32 $0x9;
	_ =	strace $0x80000048  }
0xb5: {  	_ =	swait.ge [sflag:s29], $0x1  }
0xb6: {  	[sflag:s29] =	ssyncadd.s32 $0xFFFFFFFF  }
0xb7: {  	_ =	strace $0x90000048  }
0xb8: {  	_ =	sfence  }
0xb9: {  	s30 =	sld [smem:$0x0];
	_ =	sdelay $0x2  }
0xba: {  	s31 =	sshll.u32 s1, $0xD;
	s1 =	sshrl.u32 s1, $0x2  }
0xbb: {  	s3 =	sand.u32 $0x4000, s31;
	s1 =	sadd.s32 s1, s30  }
0xbc: {  	s0 =	sor.u32 s3, s0;
	s1 =	sshll.u32 s1, $0x11  }
0xbd: {  	s0 =	sor.u32 s1, s0  }
0xbe: {  	s0 =	sadd.s32 $0x8F2B, s0  }
0xbf: {  	[sflag:s0] =	ssyncadd.remote.s32 $0x1  }
0xc0: {  	_ =	sfence.sel $0xFFFF  }
0xc1: {  	[dreg:$0x0] =	wrdreg $0xFFFFFFFF;
	(pc) =	sbr.abs _section_cstart, $3  }
0xc2: {  	[dreg:$0x1] =	wrdreg $0xFFFFFFFF  }
0xc3: {  	_ =	task.clear_ibuf [dreg:s8], $0x2FFFF;
	_ =	strace $0x9FFFFFFF  }
0xc4: {  	(tm) =	ssettm $0x7FFFFFFF  }
0xc5: {  	_ =	shalt  }
tec
execute0_lowered:
.L_overlay_start_1:
0x0: {  	(tag) =	ssettag $0x1  }
0x1: {  	s1 =	rddreg [dreg:$0x0]  }
0x2: {  	s0 =	rddreg [dreg:$0x1]  }
0x3: {  	s2 =	rddreg [dreg:$0x2]  }
0x4: {  	s4 =	srdreg.scid;
	s3 =	simm.s32 $0x0;
	s8 =	stileid.u32  }
0x5: {  	s14 =	simm.s32 $0x9;
	s15 =	simm.s32 $0x80;
	s16 =	simm.s32 $0x1000  }
0x6: {  	s17 =	simm.s32 $0x5000;
	s19 =	simm.s32 $0x9000;
	s20 =	simm.s32 $0x1  }
0x7: {  	s28 =	simm.s32 $0x6;
	s30 =	simm.s32 $0x4;
	s31 =	simm.s32 $0x7  }
0x8: {  	s18 =	simm.s32 $0x0;
	s4 =	sand.u32 $0x1, s4;
	[smem:$0x7FF] =	sst s3  }
0x9: {  	s6 =	sshll.u32 s8, $0x1;
	s2 =	sadd.s32 $0x400, s2;
	s8 =	sshll.u32 s8, $0x14  }
0xa: {  	s5 =	ssub.s32 $0x2, s4;
	_ =	strace $0x80000047;
	s6 =	sor.u32 s4, s6  }
0xb: {  	s4 =	sshll.u32 s4, $0x13;
	s7 =	sshrl.u32 s5, $0x1;
	s21 =	sshll.u32 s6, $0x9  }
0xc: {  	s6 =	sshll.u32 s6, $0x10;
	s4 =	sor.u32 s4, s8;
	s7 =	ssub.s32 s5, s7  }
0xd: {  	s0 =	sadd.s32 s0, s21;
	s5 =	sadd.s32 s2, s6;
	s24 =	sor.u32 $0x18000, s4  }
0xe: {  	s26 =	sor.u32 $0x14000, s4;
	s10 =	sor.u32 $0x10000, s4;
	s4 =	sor.u32 $0x1C000, s4  }
0xf: {  	[dreg:$0x4] =	wrdreg s0;
	s22 =	smax.u32 s7, $0x1;
	s23 =	sadd.s32 $0x800, s5  }
0x10: {  	s6 =	sadd.s32 $0x1000, s5;
	s25 =	sadd.s32 $0x1800, s5;
	[dreg:$0x5] =	wrdreg s22  }
0x11: {  	s0 =	sshrl.u32 s24, $0x3;
	s10 =	sshrl.u32 s10, $0x3;
	[dreg:$0x6] =	wrdreg s23  }
.Ltmp0:
0x12: {  	s4 =	sshrl.u32 s4, $0x3;
	[dreg:$0x7] =	wrdreg s6;
	(pc) =	sbr.rel .LBB2_1-.Ltmp0, $4  }
0x13: {  	s24 =	simm.s32 $0x5;
	[dreg:$0x8] =	wrdreg s25;
	s0 =	sadd.s32 s0, s2  }
0x14: {  	s6 =	sshrl.u32 s26, $0x3;
	s25 =	sadd.s32 s10, s2;
	s21 =	sadd.s32 s4, s2  }
0x15: {  	s22 =	simm.s32 $0xD000;
	s23 =	simm.s32 $0x2;
	s26 =	simm.s32 $0x3  }
0x16: {  	[dreg:$0x9] =	wrdreg s0;
	s29 =	sadd.s32 s6, s2;
	s2 =	simm.s32 $0x8  }
.LBB2_4:
0x17: {  	_ =	swait.ge [sflag:s2], $0x4000  }
0x18: {  	s18 =	sadd.s32 $0x1, s18;
	s0 =	rddreg [dreg:$0x5]  }
0x19: {  	p0 =	sne.s32 s18, s0  }
.Ltmp1:
0x1a: {  	_ = 	snop;
	(pc) =	sbr.rel @!p0 .LBB2_5-.Ltmp1, $3  }
0x1b: {  	_ =	sdelay $0x1  }
0x1c: {  	[sflag:s2] =	ssyncset.done $0x0  }
0x1d: {  	[sflag:s2] =	ssyncadd.s32 $0xFFFFC000  }
.LBB2_1:
0x1e: {  	s0 =	rddreg [dreg:$0x4]  }
0x1f: {  	[tilespmem:s3], [sflag:$0x9] =	stream.linear.gather [hbm4b:s0+s3], $0x1000, $0x38;
	[tilespmem:$0x11000] =	vst v63  }
0x20: {  	_ =	swait.ge [sflag:s14], $0x1000  }
0x21: {  	[sflag:s14] =	ssyncset.done $0x0  }
0x22: {  	[sflag:s14] =	ssyncadd.s32 $0xFFFFF000  }
0x23: {  	[tilespmem:s16], [sflag:$0x1] =	stream.indirect.gather [hbm4b:s1+s15], $0x80, s3, s15, $0xb8;
	[tilespmem:$0x11000] =	vst v63  }
0x24: {  	_ = 	snop  }
0x25: {  	[tilespmem:s17], [sflag:$0x2] =	stream.indirect.gather [hbm4b:s1+s15], $0x80, s15, s15, $0xb8;
	[tilespmem:$0x11000] =	vst v63  }
0x26: {  	s6 =	simm.s32 $0x100  }
0x27: {  	[tilespmem:s19], [sflag:$0x3] =	stream.indirect.gather [hbm4b:s1+s15], $0x80, s6, s15, $0xb8;
	[tilespmem:$0x11000] =	vst v63  }
0x28: {  	_ =	swait.ge [sflag:s20], $0x4000  }
0x29: {  	[sflag:s20] =	ssyncset.done $0x0  }
0x2a: {  	[sflag:s20] =	ssyncadd.s32 $0xFFFFC000  }
0x2b: {  	[hbm4b:s5+s3] =	stream.linear.scatter [tilespmem:s16], [sflag:$0x5], $0x4000, $0x38;
	[tilespmem:$0x11000] =	vst v63  }
0x2c: {  	s7 =	simm.s32 $0x180  }
0x2d: {  	[tilespmem:s22], [sflag:$0x4] =	stream.indirect.gather [hbm4b:s1+s15], $0x80, s7, s15, $0xb8;
	[tilespmem:$0x11000] =	vst v63  }
0x2e: {  	_ =	swait.ge [sflag:s23], $0x4000  }
0x2f: {  	[sflag:s23] =	ssyncset.done $0x0  }
0x30: {  	s8 =	rddreg [dreg:$0x6];
	[sflag:s23] =	ssyncadd.s32 $0xFFFFC000  }
0x31: {  	[hbm4b:s8+s3] =	stream.linear.scatter [tilespmem:s17], [sflag:$0x6], $0x4000, $0x38;
	[tilespmem:$0x11000] =	vst v63  }
0x32: {  	_ =	swait.ge [sflag:s24], $0x4000  }
0x33: {  	[sflag:s24] =	ssyncset.done $0x0  }
0x34: {  	s9 =	simm.s32 $0x200;
	[sflag:s24] =	ssyncadd.s32 $0xFFFFC000  }
0x35: {  	[tilespmem:s16], [sflag:$0x1] =	stream.indirect.gather [hbm4b:s1+s15], $0x80, s9, s15, $0xb8;
	[tilespmem:$0x11000] =	vst v63  }
0x36: {  	_ =	swait.ge [sflag:s26], $0x4000  }
0x37: {  	[sflag:s26] =	ssyncset.done $0x0  }
0x38: {  	s10 =	rddreg [dreg:$0x7];
	[sflag:s26] =	ssyncadd.s32 $0xFFFFC000  }
0x39: {  	[hbm4b:s10+s3] =	stream.linear.scatter [tilespmem:s19], [sflag:$0x7], $0x4000, $0x38;
	[tilespmem:$0x11000] =	vst v63  }
0x3a: {  	_ =	swait.ge [sflag:s28], $0x4000  }
0x3b: {  	[sflag:s28] =	ssyncset.done $0x0  }
0x3c: {  	s11 =	simm.s32 $0x280;
	[sflag:s28] =	ssyncadd.s32 $0xFFFFC000  }
0x3d: {  	[tilespmem:s17], [sflag:$0x2] =	stream.indirect.gather [hbm4b:s1+s15], $0x80, s11, s15, $0xb8;
	[tilespmem:$0x11000] =	vst v63  }
0x3e: {  	_ =	swait.ge [sflag:s30], $0x4000  }
0x3f: {  	[sflag:s30] =	ssyncset.done $0x0  }
0x40: {  	s12 =	rddreg [dreg:$0x8];
	[sflag:s30] =	ssyncadd.s32 $0xFFFFC000  }
0x41: {  	[hbm4b:s12+s3] =	stream.linear.scatter [tilespmem:s22], [sflag:$0x8], $0x4000, $0x38;
	[tilespmem:$0x11000] =	vst v63  }
0x42: {  	_ =	swait.ge [sflag:s31], $0x4000  }
0x43: {  	s13 =	simm.s32 $0x300;
	[sflag:s31] =	ssyncset.done $0x0  }
0x44: {  	s4 =	simm.s32 $0x0;
	s11 =	smov.u32 s29;
	[sflag:s31] =	ssyncadd.s32 $0xFFFFC000  }
0x45: {  	[tilespmem:s19], [sflag:$0x3] =	stream.indirect.gather [hbm4b:s1+s15], $0x80, s13, s15, $0xb8;
	[tilespmem:$0x11000] =	vst v63  }
0x46: {  	s12 =	smov.u32 s25;
	s10 =	rddreg [dreg:$0x9];
	s13 =	smov.u32 s21  }
.LBB2_2:
0x47: {  	_ =	swait.ge [sflag:s20], $0x4000  }
0x48: {  	[sflag:s20] =	ssyncset.done $0x0  }
0x49: {  	[sflag:s20] =	ssyncadd.s32 $0xFFFFC000  }
0x4a: {  	[hbm4b:s12+s3] =	stream.linear.scatter [tilespmem:s16], [sflag:$0x5], $0x4000, $0x38;
	[tilespmem:$0x11000] =	vst v63  }
0x4b: {  	_ =	swait.ge [sflag:s2], $0x4000  }
0x4c: {  	s6 =	sshra.s32 s4, $0x2;
	[sflag:s2] =	ssyncset.done $0x0  }
0x4d: {  	s7 =	sadd.s32 $0x380, s6;
	[sflag:s2] =	ssyncadd.s32 $0xFFFFC000  }
0x4e: {  	[tilespmem:s22], [sflag:$0x4] =	stream.indirect.gather [hbm4b:s1+s15], $0x80, s7, s15, $0xb8;
	[tilespmem:$0x11000] =	vst v63  }
0x4f: {  	_ =	swait.ge [sflag:s23], $0x4000  }
0x50: {  	[sflag:s23] =	ssyncset.done $0x0  }
0x51: {  	[sflag:s23] =	ssyncadd.s32 $0xFFFFC000  }
0x52: {  	[hbm4b:s11+s3] =	stream.linear.scatter [tilespmem:s17], [sflag:$0x6], $0x4000, $0x38;
	[tilespmem:$0x11000] =	vst v63  }
0x53: {  	p0 =	seq.s32 s4, $0x3000;
	_ =	swait.ge [sflag:s24], $0x4000  }
0x54: {  	s9 =	simm.s32 @!p0 $0x80;
	s7 =	sshra.s32 @!p0 s4, $0x2;
	[sflag:s24] =	ssyncset.done $0x0  }
0x55: {  	s0 =	simm.s32 @!p0 $0x1000;
	s8 =	sadd.s32 @!p0 $0x400, s7;
	[sflag:s24] =	ssyncadd.s32 $0xFFFFC000  }
0x56: {  	[tilespmem:s0], [sflag:$0x1] =	stream.indirect.gather @!p0 [hbm4b:s1+s9], $0x80, s8, s9, $0xb8;
	[tilespmem:$0x11000] =	vst v63  }
0x57: {  	_ =	swait.ge [sflag:s26], $0x4000  }
0x58: {  	[sflag:s26] =	ssyncset.done $0x0  }
0x59: {  	[sflag:s26] =	ssyncadd.s32 $0xFFFFC000  }
0x5a: {  	[hbm4b:s10+s3] =	stream.linear.scatter [tilespmem:s19], [sflag:$0x7], $0x4000, $0x38;
	[tilespmem:$0x11000] =	vst v63  }
0x5b: {  	_ =	swait.ge [sflag:s28], $0x4000  }
0x5c: {  	[sflag:s28] =	ssyncset.done $0x0  }
0x5d: {  	s0 =	sadd.s32 @!p0 $0x480, s7;
	s7 =	simm.s32 @!p0 $0x5000;
	[sflag:s28] =	ssyncadd.s32 $0xFFFFC000  }
0x5e: {  	[tilespmem:s7], [sflag:$0x2] =	stream.indirect.gather @!p0 [hbm4b:s1+s9], $0x80, s0, s9, $0xb8;
	[tilespmem:$0x11000] =	vst v63  }
0x5f: {  	_ =	swait.ge [sflag:s30], $0x4000  }
0x60: {  	[sflag:s30] =	ssyncset.done $0x0  }
.Ltmp2:
0x61: {  	[sflag:s30] =	ssyncadd.s32 $0xFFFFC000;
	(pc) =	sbr.rel @p0 .LBB2_4-.Ltmp2, $4  }
0x62: {  	[hbm4b:s13+s3] =	stream.linear.scatter [tilespmem:s22], [sflag:$0x8], $0x4000, $0x38;
	[tilespmem:$0x11000] =	vst v63  }
0x63: {  	_ =	swait.ge [sflag:s31], $0x4000  }
0x64: {  	[sflag:s31] =	ssyncset.done $0x0  }
0x65: {  	[sflag:s31] =	ssyncadd.s32 $0xFFFFC000  }
.Ltmp3:
0x66: {  	(pc) =	sbr.rel .LBB2_2-.Ltmp3, $4  }
0x67: {  	_ = 	snop  }
0x68: {  	s0 =	sadd.s32 $0x500, s6;
	s4 =	sadd.s32 $0x800, s4;
	s10 =	sadd.s32 $0x2000, s10  }
0x69: {  	s11 =	sadd.s32 $0x2000, s11;
	s12 =	sadd.s32 $0x2000, s12;
	s13 =	sadd.s32 $0x2000, s13  }
0x6a: {  	[tilespmem:s19], [sflag:$0x3] =	stream.indirect.gather [hbm4b:s1+s15], $0x80, s0, s15, $0xb8;
	[tilespmem:$0x11000] =	vst v63  }
.LBB2_5:
0x6b: {  	_ =	sfence.sel $0x180000  }
0x6c: {  	[bflag:$0x0] =	sbarrier.arrive $0xFFFF  }
0x6d: {  	_ =	strace $0x90000047  }
0x6e: {  	s0 =	stileid.u32;
	[bflag:$0x2] =	sbarrier.arrive $0xFFFF  }
0x6f: {  	p0 =	sne.s32 s0, $0x0;
	s0 =	rddreg [dreg:$0x3]  }
0x70: {  	s0 =	sadd.s32 @!p0 $0x100000, s0  }
0x71: {  	[sflag:s0] =	ssyncadd.tile.s32 @!p0 $0x1;
	_ =	shalt  }
.Lfunc_end2:
_tile_overlayer_lowered:
.L_overlay_start_2:
0x72: {  	(tag) =	ssettag $0x2  }
0x73: {  	s0 =	rddreg [dreg:$0x0];
	s2 =	stileid.u32  }
0x74: {  	s1 =	rddreg [dreg:$0x1];
	p0 =	sne.s32 s2, $0x0  }
0x75: {  	s3 =	rddreg [dreg:$0x2];
	[bflag:$0x3] =	sbarrier.arrive $0xFFFF;
	s2 =	simm.s32 @!p0 $0x1C09  }
0x76: {  	[timem:s3], [sflag:s2] =	dma.local @!p0 [hbm:s0], s1  }
0x77: {  	s0 =	simm.s32 @!p0 $0x9  }
0x78: {  	_ =	swait.ge @!p0 [sflag:s0], s1  }
0x79: {  	s1 =	ssub.s32 @!p0 $0x0, s1;
	[sflag:s0] =	ssyncset.done @!p0 $0x0  }
0x7a: {  	[sflag:s0] =	ssyncadd.s32 @!p0 s1  }
0x7b: {  	[bflag:$0x3] =	sbarrier.arrive $0xFFFF  }
0x7c: {  	_ =	shalt  }

</sc_bundles>
